<compile_context>
chip_gen: v7x
topology: tpu7x:2x2x1
jax: 0.10.2.dev20260603
libtpu: 0.0.44.dev20260713+nightly
codegen_flags: <defaults>
</compile_context>

<pallas_src>
import functools

import jax
import jax.numpy as jnp
from jax import lax
from jax.experimental import pallas as pl
from jax.experimental.pallas import tpu as pltpu
from jax.experimental.pallas import tpu_sc as plsc

NC = 2
NS = 16
NW = NC * NS
CH = 128


NB = 4


def _make_sc_segment_sum(NF, NP, CPW, D, with_count, stage_table, nb=NB):
  mesh = plsc.VectorSubcoreMesh(core_axis_name="c", subcore_axis_name="s")
  out_type = [jax.ShapeDtypeStruct((NC, NP, D), jnp.float32)]
  scratch = [
      pltpu.VMEM((CPW, CH), jnp.int32),
      pltpu.VMEM((CPW, CH), jnp.int32),
      [pltpu.VMEM((CH, D), jnp.float32) for _ in range(nb)],
      pltpu.VMEM_SHARED((NF if stage_table else 1, D), jnp.float32),
      pltpu.VMEM_SHARED((NP, D), jnp.float32),
      [pltpu.SemaphoreType.DMA for _ in range(nb)],
      [pltpu.SemaphoreType.DMA for _ in range(nb)],
  ]
  if with_count:
    out_type.append(jax.ShapeDtypeStruct((NC, NP, 16), jnp.float32))
    scratch.append(pltpu.VMEM((CH, 16), jnp.float32))
    scratch.append(pltpu.VMEM_SHARED((NP, 16), jnp.float32))
    scratch.append(pltpu.SemaphoreType.DMA)

  rows_per_tile = NP // NS
  zchunks = NP // CH // NS
  NG = CPW // nb

  rpf = NF // NS

  def body(feat, srcidx, dstidx, *rest):
    if with_count:
      (out_acc, out_cnt, src_slab, dst_slab, rows, feat_sh, acc_sh,
       gsem, ssem, ones_v, cnt_sh, osem) = rest
    else:
      (out_acc, src_slab, dst_slab, rows, feat_sh, acc_sh, gsem, ssem) = rest
    c = lax.axis_index("c")
    s = lax.axis_index("s")
    wid = c * NS + s
    zero16 = jnp.zeros((16,), jnp.float32)
    one16 = jnp.ones((16,), jnp.float32)

    def zrow(i, _):
      for d4 in range(D // 16):
        rows[0][i, pl.ds(d4 * 16, 16)] = zero16
      return 0
    lax.fori_loop(0, CH, zrow, 0)
    for j in range(zchunks):
      pltpu.sync_copy(rows[0], acc_sh.at[pl.ds((s * zchunks + j) * CH, CH)])
    if with_count:
      def zone(i, _):
        ones_v[i, pl.ds(0, 16)] = zero16
        return 0
      lax.fori_loop(0, CH, zone, 0)
      for j in range(zchunks):
        pltpu.sync_copy(ones_v, cnt_sh.at[pl.ds((s * zchunks + j) * CH, CH)])
      def frow(i, _):
        ones_v[i, pl.ds(0, 16)] = one16
        return 0
      lax.fori_loop(0, CH, frow, 0)

    pltpu.sync_copy(srcidx.at[wid], src_slab)
    pltpu.sync_copy(dstidx.at[wid], dst_slab)
    if stage_table:
      pltpu.sync_copy(feat.at[pl.ds(s * rpf, rpf)],
                      feat_sh.at[pl.ds(s * rpf, rpf)])
    plsc.subcore_barrier()
    gsrc = feat_sh if stage_table else feat

    def group(gi, _):
      g = gi * nb
      for b in range(nb):
        @pl.when(gi > 0)
        def _(b=b):
          pltpu.make_async_copy(rows[b], acc_sh.at[dst_slab.at[0]],
                                ssem[b]).wait()
        pltpu.async_copy(gsrc.at[src_slab.at[g + b]], rows[b], gsem[b])
      for b in range(nb):
        pltpu.make_async_copy(gsrc.at[src_slab.at[g + b]], rows[b],
                              gsem[b]).wait()
        pltpu.async_copy(rows[b], acc_sh.at[dst_slab.at[g + b]], ssem[b],
                         add=True)
        if with_count:
          pltpu.async_copy(ones_v, cnt_sh.at[dst_slab.at[g + b]], osem,
                           add=True)
      return 0

    lax.fori_loop(0, NG, group, 0)
    for b in range(nb):
      pltpu.make_async_copy(rows[b], acc_sh.at[dst_slab.at[0]], ssem[b]).wait()
    if with_count:
      def drain(i, _):
        pltpu.make_async_copy(ones_v, cnt_sh.at[dst_slab.at[0]], osem).wait()
        return 0
      lax.fori_loop(0, CPW, drain, 0)

    plsc.subcore_barrier()
    r0 = s * rows_per_tile
    pltpu.sync_copy(acc_sh.at[pl.ds(r0, rows_per_tile)],
                    out_acc.at[c, pl.ds(r0, rows_per_tile)])
    if with_count:
      pltpu.sync_copy(cnt_sh.at[pl.ds(r0, rows_per_tile)],
                      out_cnt.at[c, pl.ds(r0, rows_per_tile)])

  return pl.kernel(
      body, out_type=out_type, mesh=mesh, scratch_types=scratch,
      compiler_params=pltpu.CompilerParams(use_tc_tiling_on_sc=False))


def _pre_body(x_ref, wl_ref, wr_ref, p_ref, r_ref):
  xb = x_ref[...]
  p_ref[...] = jnp.dot(xb, wl_ref[...], preferred_element_type=jnp.float32)
  r_ref[...] = jnp.dot(xb, wr_ref[...], preferred_element_type=jnp.float32)


def _mid_body(acc_ref, cnt_ref, r_ref, b_ref, h_ref):
  a = acc_ref[0] + acc_ref[1]
  cnt = cnt_ref[0, :, 0:1] + cnt_ref[1, :, 0:1]
  mean = a / jnp.maximum(cnt, 1.0)
  h_ref[...] = jnp.maximum(mean + b_ref[...] + r_ref[...], 0.0)


def _post_body(acc_ref, cnt_ref, h_ref, wl_ref, wr_ref, b_ref, o_ref):
  a = acc_ref[0] + acc_ref[1]
  cnt = cnt_ref[0, :, 0:1] + cnt_ref[1, :, 0:1]
  mean = a / jnp.maximum(cnt, 1.0)
  hb = h_ref[...]
  z = (jnp.dot(mean, wl_ref[...], preferred_element_type=jnp.float32)
       + jnp.dot(hb, wr_ref[...], preferred_element_type=jnp.float32)
       + b_ref[...])
  m = jnp.max(z, axis=1, keepdims=True)
  lse = jnp.log(jnp.sum(jnp.exp(z - m), axis=1, keepdims=True))
  o_ref[...] = z - m - lse


@jax.jit
def kernel(x, edge_index, Wl1, bl1, Wr1, Wl2, bl2, Wr2):
  N, F = x.shape
  H = Wl1.shape[0]
  C = Wl2.shape[0]
  E = edge_index.shape[1]

  CPW = -(-(-(-E // (NW * CH))) // NB) * NB
  EP = NW * CPW * CH
  NP = -(-(N + 1) // (NS * CH)) * (NS * CH)

  pad_dst = N + jnp.arange(EP - E, dtype=jnp.int32) % (NP - N)
  pad_src = jnp.arange(EP - E, dtype=jnp.int32) % N
  src = jnp.concatenate([edge_index[0], pad_src]).reshape(NW, CPW, CH)
  dst = jnp.concatenate([edge_index[1], pad_dst]).reshape(NW, CPW, CH)

  RB = 1000
  grid = -(-N // RB)

  p1, r1 = pl.pallas_call(
      _pre_body,
      grid=(grid,),
      in_specs=[
          pl.BlockSpec((RB, F), lambda i: (i, 0)),
          pl.BlockSpec((F, H), lambda i: (0, 0)),
          pl.BlockSpec((F, H), lambda i: (0, 0)),
      ],
      out_specs=[
          pl.BlockSpec((RB, H), lambda i: (i, 0)),
          pl.BlockSpec((RB, H), lambda i: (i, 0)),
      ],
      out_shape=[
          jax.ShapeDtypeStruct((N, H), jnp.float32),
          jax.ShapeDtypeStruct((N, H), jnp.float32),
      ],
  )(x, Wl1.T, Wr1.T)

  acc1, cntacc = _make_sc_segment_sum(N, NP, CPW, H, True, False,
                                      nb=5)(p1, src, dst)

  h = pl.pallas_call(
      _mid_body,
      grid=(grid,),
      in_specs=[
          pl.BlockSpec((NC, RB, H), lambda i: (0, i, 0)),
          pl.BlockSpec((NC, RB, 16), lambda i: (0, i, 0)),
          pl.BlockSpec((RB, H), lambda i: (i, 0)),
          pl.BlockSpec((1, H), lambda i: (0, 0)),
      ],
      out_specs=pl.BlockSpec((RB, H), lambda i: (i, 0)),
      out_shape=jax.ShapeDtypeStruct((N, H), jnp.float32),
  )(acc1, cntacc, r1, bl1.reshape(1, H))

  (acc2,) = _make_sc_segment_sum(N, NP, CPW, H, False, True, nb=2)(h, src, dst)

  out = pl.pallas_call(
      _post_body,
      grid=(grid,),
      in_specs=[
          pl.BlockSpec((NC, RB, H), lambda i: (0, i, 0)),
          pl.BlockSpec((NC, RB, 16), lambda i: (0, i, 0)),
          pl.BlockSpec((RB, H), lambda i: (i, 0)),
          pl.BlockSpec((H, C), lambda i: (0, 0)),
          pl.BlockSpec((H, C), lambda i: (0, 0)),
          pl.BlockSpec((1, C), lambda i: (0, 0)),
      ],
      out_specs=pl.BlockSpec((RB, C), lambda i: (i, 0)),
      out_shape=jax.ShapeDtypeStruct((N, C), jnp.float32),
  )(acc2, cntacc, h, Wl2.T, Wr2.T, bl2.reshape(1, C))

  return out

# --- scband reference (transcript-rebuilt; emitter-appended) ---
"""Pipeline reference for scband-graph-sage-13683765805695 (READ-ONLY COPY).

The authoritative reference and input builder live on the scoring server;
editing this copy changes nothing except your own understanding.
"""

import jax, jax.numpy as jnp
import numpy as np

N, E, F_IN, H, C = 10000, 320000, 128, 64, 128

def _glorot(key, shape):
    lim = float(np.sqrt(6.0 / (shape[0] + shape[1])))
    return jax.random.uniform(key, shape, minval=-lim, maxval=lim, dtype=jnp.float32)

def setup_inputs(seed: int = 0) -> dict:
    key = jax.random.key(seed)
    ks = jax.random.split(key, 10)
    x = jax.random.normal(ks[0], (N, F_IN), dtype=jnp.float32)
    edge_index = jax.random.randint(ks[1], (2, E), 0, N, dtype=jnp.int32)
    # SAGEConv layer 1: 128 -> 64 (lin_l applied to aggregated neighbors w/ bias, lin_r applied to root)
    Wl1 = _glorot(ks[2], (H, F_IN))
    bl1 = jnp.zeros((H,), dtype=jnp.float32)
    Wr1 = _glorot(ks[3], (H, F_IN))
    # SAGEConv layer 2: 64 -> 128
    Wl2 = _glorot(ks[4], (C, H))
    bl2 = jnp.zeros((C,), dtype=jnp.float32)
    Wr2 = _glorot(ks[5], (C, H))
    return {"x": x, "edge_index": edge_index, "Wl1": Wl1, "bl1": bl1, "Wr1": Wr1,
            "Wl2": Wl2, "bl2": bl2, "Wr2": Wr2}

def _sage_conv(x, src, dst, Wl, bl, Wr):
    n = x.shape[0]
    msg = x[src]  # gather source-node features per edge
    agg = jax.ops.segment_sum(msg, dst, num_segments=n)  # scatter-add to dst
    cnt = jax.ops.segment_sum(jnp.ones((src.shape[0],), dtype=x.dtype), dst, num_segments=n)
    mean = agg / jnp.clip(cnt, 1.0)[:, None]
    return mean @ Wl.T + bl + x @ Wr.T

def reference(x, edge_index, Wl1, bl1, Wr1, Wl2, bl2, Wr2):
    src = edge_index[0]
    dst = edge_index[1]
    h = _sage_conv(x, src, dst, Wl1, bl1, Wr1)
    h = jax.nn.relu(h)  # dropout p=0.0 -> identity
    h = _sage_conv(h, src, dst, Wl2, bl2, Wr2)
    return jax.nn.log_softmax(h, axis=1)

if __name__ == "__main__":
    import jax
    _d = setup_inputs()
    print(jax.jit(kernel)(*tuple(_d.values())))

</pallas_src>

<mosaic_0001>
#map = affine_map<(d0, d1) -> (0, 0)>
#map1 = affine_map<(d0, d1) -> (0, 0, 0)>
module attributes {stable_mosaic.version = 14 : i64} {
  func.func @body(%arg0: i32, %arg1: i32, %arg2: memref<10000x64xf32, #tpu.memory_space<hbm>>, %arg3: memref<32x80x128xi32, #tpu.memory_space<hbm>>, %arg4: memref<32x80x128xi32, #tpu.memory_space<hbm>>, %arg5: memref<2x10240x64xf32, #tpu.memory_space<hbm>>, %arg6: memref<2x10240x16xf32, #tpu.memory_space<hbm>>, %arg7: memref<80x128xi32, #tpu.memory_space<vmem>>, %arg8: memref<80x128xi32, #tpu.memory_space<vmem>>, %arg9: memref<128x64xf32, #tpu.memory_space<vmem>>, %arg10: memref<128x64xf32, #tpu.memory_space<vmem>>, %arg11: memref<128x64xf32, #tpu.memory_space<vmem>>, %arg12: memref<128x64xf32, #tpu.memory_space<vmem>>, %arg13: memref<128x64xf32, #tpu.memory_space<vmem>>, %arg14: memref<1x64xf32, #tpu.memory_space<vmem_shared>>, %arg15: memref<10240x64xf32, #tpu.memory_space<vmem_shared>>, %arg16: memref<!tpu.dma_semaphore, #tpu.memory_space<semaphore_mem>>, %arg17: memref<!tpu.dma_semaphore, #tpu.memory_space<semaphore_mem>>, %arg18: memref<!tpu.dma_semaphore, #tpu.memory_space<semaphore_mem>>, %arg19: memref<!tpu.dma_semaphore, #tpu.memory_space<semaphore_mem>>, %arg20: memref<!tpu.dma_semaphore, #tpu.memory_space<semaphore_mem>>, %arg21: memref<!tpu.dma_semaphore, #tpu.memory_space<semaphore_mem>>, %arg22: memref<!tpu.dma_semaphore, #tpu.memory_space<semaphore_mem>>, %arg23: memref<!tpu.dma_semaphore, #tpu.memory_space<semaphore_mem>>, %arg24: memref<!tpu.dma_semaphore, #tpu.memory_space<semaphore_mem>>, %arg25: memref<!tpu.dma_semaphore, #tpu.memory_space<semaphore_mem>>, %arg26: memref<128x16xf32, #tpu.memory_space<vmem>>, %arg27: memref<10240x16xf32, #tpu.memory_space<vmem_shared>>, %arg28: memref<!tpu.dma_semaphore, #tpu.memory_space<semaphore_mem>>) attributes {dimension_semantics = [#tpu.dimension_semantics<core_parallel>, #tpu.dimension_semantics<subcore_parallel>], iteration_bounds = array<i64: 2, 16>, scalar_prefetch = 0 : i64, scratch_operands = 22 : i64, tpu.core_type = #tpu.core_type<sc_vector_subcore>, window_params = [{transform_indices = #map}, {transform_indices = #map1}, {transform_indices = #map1}, {transform_indices = #map1}, {transform_indices = #map1}]} {
    %mul3A = arith.constant 16 : i32
    %mul3A_0 = arith.muli %arg0, %mul3A : i32
    %add3A = arith.addi %mul3A_0, %arg1 : i32
    %broadcast_in_dim3A = arith.constant 0.000000e+00 : f32
    %broadcast_in_dim3A_1 = vector.broadcast %broadcast_in_dim3A : f32 to vector<16xf32>
    %broadcast_in_dim3A_2 = arith.constant 1.000000e+00 : f32
    %broadcast_in_dim3A_3 = vector.broadcast %broadcast_in_dim3A_2 : f32 to vector<16xf32>
    %scan3A = arith.constant 0 : i32
    %scan3A_4 = arith.constant 0 : i32
    %scan3A_5 = arith.constant 128 : i32
    %scan3A_6 = arith.addi %scan3A_4, %scan3A_5 : i32
    %scan3A_7 = arith.constant 1 : i32
    %scan3A_8 = scf.for %scan3A_135 = %scan3A_4 to %scan3A_6 step %scan3A_7 iter_args(%scan3A_136 = %scan3A) -> (i32)  : i32 {
      %swap3A = arith.index_cast %scan3A_135 : i32 to index
      %swap3A_137 = arith.constant 0 : index
      %swap3A_138 = tpu.vector_load %arg9[%swap3A, %swap3A_137] {strides = array<i32>} : memref<128x64xf32, #tpu.memory_space<vmem>>, vector<1x16xf32>,
      %swap3A_139 = vector.shape_cast %swap3A_138 : vector<1x16xf32> to vector<16xf32>
      %swap3A_140 = vector.shape_cast %broadcast_in_dim3A_1 : vector<16xf32> to vector<1x16xf32>
      tpu.vector_store %arg9[%swap3A, %swap3A_137], %swap3A_140 {strides = array<i32>} : memref<128x64xf32, #tpu.memory_space<vmem>>, vector<1x16xf32>,
      %swap3A_141 = arith.index_cast %scan3A_135 : i32 to index
      %swap3A_142 = arith.constant 16 : index
      %swap3A_143 = tpu.vector_load %arg9[%swap3A_141, %swap3A_142] {strides = array<i32>} : memref<128x64xf32, #tpu.memory_space<vmem>>, vector<1x16xf32>,
      %swap3A_144 = vector.shape_cast %swap3A_143 : vector<1x16xf32> to vector<16xf32>
      %swap3A_145 = vector.shape_cast %broadcast_in_dim3A_1 : vector<16xf32> to vector<1x16xf32>
      tpu.vector_store %arg9[%swap3A_141, %swap3A_142], %swap3A_145 {strides = array<i32>} : memref<128x64xf32, #tpu.memory_space<vmem>>, vector<1x16xf32>,
      %swap3A_146 = arith.index_cast %scan3A_135 : i32 to index
      %swap3A_147 = arith.constant 32 : index
      %swap3A_148 = tpu.vector_load %arg9[%swap3A_146, %swap3A_147] {strides = array<i32>} : memref<128x64xf32, #tpu.memory_space<vmem>>, vector<1x16xf32>,
      %swap3A_149 = vector.shape_cast %swap3A_148 : vector<1x16xf32> to vector<16xf32>
      %swap3A_150 = vector.shape_cast %broadcast_in_dim3A_1 : vector<16xf32> to vector<1x16xf32>
      tpu.vector_store %arg9[%swap3A_146, %swap3A_147], %swap3A_150 {strides = array<i32>} : memref<128x64xf32, #tpu.memory_space<vmem>>, vector<1x16xf32>,
      %swap3A_151 = arith.index_cast %scan3A_135 : i32 to index
      %swap3A_152 = arith.constant 48 : index
      %swap3A_153 = tpu.vector_load %arg9[%swap3A_151, %swap3A_152] {strides = array<i32>} : memref<128x64xf32, #tpu.memory_space<vmem>>, vector<1x16xf32>,
      %swap3A_154 = vector.shape_cast %swap3A_153 : vector<1x16xf32> to vector<16xf32>
      %swap3A_155 = vector.shape_cast %broadcast_in_dim3A_1 : vector<16xf32> to vector<1x16xf32>
      tpu.vector_store %arg9[%swap3A_151, %swap3A_152], %swap3A_155 {strides = array<i32>} : memref<128x64xf32, #tpu.memory_space<vmem>>, vector<1x16xf32>,
      %scan3A_156 = arith.constant 0 : i32
      scf.yield %scan3A_156 : i32
    }
    %scan3A_9 = arith.constant 128 : i32
    %mul3A_10 = arith.constant 5 : i32
    %mul3A_11 = arith.muli %arg1, %mul3A_10 : i32
    %add3A_12 = arith.constant 0 : i32
    %add3A_13 = arith.addi %mul3A_11, %add3A_12 : i32
    %mul3A_14 = arith.constant 128 : i32
    %mul3A_15 = arith.muli %add3A_13, %mul3A_14 : i32
    "tpu.region"() ({
      %run_scoped3A = tpu.sem_alloc : memref<!tpu.dma_semaphore, #tpu.memory_space<semaphore_mem>>
      %dma_start3A = arith.constant 0 : i32
      %dma_start3A_135 = tpu.memref_slice %arg15[%mul3A_15, %dma_start3A] : memref<10240x64xf32, #tpu.memory_space<vmem_shared>> -> memref<128x64xf32, #tpu.memory_space<vmem_shared>>
      %dma_start3A_136 = arith.constant 0 : i32
      %dma_start3A_137 = tpu.memref_slice %arg15[%mul3A_15, %dma_start3A_136] : memref<10240x64xf32, #tpu.memory_space<vmem_shared>> -> memref<128x64xf32, #tpu.memory_space<vmem_shared>>
      tpu.enqueue_dma source(%arg9 : memref<128x64xf32, #tpu.memory_space<vmem>>) target(%dma_start3A_137 : memref<128x64xf32, #tpu.memory_space<vmem_shared>>) target_semaphore(%run_scoped3A : memref<!tpu.dma_semaphore, #tpu.memory_space<semaphore_mem>>)
      %dma_wait3A_138 = arith.constant 0 : i32
      %dma_wait3A_139 = tpu.memref_slice %arg15[%mul3A_15, %dma_wait3A_138] : memref<10240x64xf32, #tpu.memory_space<vmem_shared>> -> memref<128x64xf32, #tpu.memory_space<vmem_shared>>
      %dma_wait3A_140 = arith.constant 0 : i32
      %dma_wait3A_141 = tpu.memref_slice %arg15[%mul3A_15, %dma_wait3A_140] : memref<10240x64xf32, #tpu.memory_space<vmem_shared>> -> memref<128x64xf32, #tpu.memory_space<vmem_shared>>
      tpu.wait_dma2 semaphore(%run_scoped3A : memref<!tpu.dma_semaphore, #tpu.memory_space<semaphore_mem>>) src(%arg9 : memref<128x64xf32, #tpu.memory_space<vmem>>) dst(%dma_wait3A_141 : memref<128x64xf32, #tpu.memory_space<vmem_shared>>)
      tpu.yield
    }) : () -> ()
    %mul3A_16 = arith.constant 5 : i32
    %mul3A_17 = arith.muli %arg1, %mul3A_16 : i32
    %add3A_18 = arith.constant 1 : i32
    %add3A_19 = arith.addi %mul3A_17, %add3A_18 : i32
    %mul3A_20 = arith.constant 128 : i32
    %mul3A_21 = arith.muli %add3A_19, %mul3A_20 : i32
    "tpu.region"() ({
      %run_scoped3A = tpu.sem_alloc : memref<!tpu.dma_semaphore, #tpu.memory_space<semaphore_mem>>
      %dma_start3A = arith.constant 0 : i32
      %dma_start3A_135 = tpu.memref_slice %arg15[%mul3A_21, %dma_start3A] : memref<10240x64xf32, #tpu.memory_space<vmem_shared>> -> memref<128x64xf32, #tpu.memory_space<vmem_shared>>
      %dma_start3A_136 = arith.constant 0 : i32
      %dma_start3A_137 = tpu.memref_slice %arg15[%mul3A_21, %dma_start3A_136] : memref<10240x64xf32, #tpu.memory_space<vmem_shared>> -> memref<128x64xf32, #tpu.memory_space<vmem_shared>>
      tpu.enqueue_dma source(%arg9 : memref<128x64xf32, #tpu.memory_space<vmem>>) target(%dma_start3A_137 : memref<128x64xf32, #tpu.memory_space<vmem_shared>>) target_semaphore(%run_scoped3A : memref<!tpu.dma_semaphore, #tpu.memory_space<semaphore_mem>>)
      %dma_wait3A_138 = arith.constant 0 : i32
      %dma_wait3A_139 = tpu.memref_slice %arg15[%mul3A_21, %dma_wait3A_138] : memref<10240x64xf32, #tpu.memory_space<vmem_shared>> -> memref<128x64xf32, #tpu.memory_space<vmem_shared>>
      %dma_wait3A_140 = arith.constant 0 : i32
      %dma_wait3A_141 = tpu.memref_slice %arg15[%mul3A_21, %dma_wait3A_140] : memref<10240x64xf32, #tpu.memory_space<vmem_shared>> -> memref<128x64xf32, #tpu.memory_space<vmem_shared>>
      tpu.wait_dma2 semaphore(%run_scoped3A : memref<!tpu.dma_semaphore, #tpu.memory_space<semaphore_mem>>) src(%arg9 : memref<128x64xf32, #tpu.memory_space<vmem>>) dst(%dma_wait3A_141 : memref<128x64xf32, #tpu.memory_space<vmem_shared>>)
      tpu.yield
    }) : () -> ()
    %mul3A_22 = arith.constant 5 : i32
    %mul3A_23 = arith.muli %arg1, %mul3A_22 : i32
    %add3A_24 = arith.constant 2 : i32
    %add3A_25 = arith.addi %mul3A_23, %add3A_24 : i32
    %mul3A_26 = arith.constant 128 : i32
    %mul3A_27 = arith.muli %add3A_25, %mul3A_26 : i32
    "tpu.region"() ({
      %run_scoped3A = tpu.sem_alloc : memref<!tpu.dma_semaphore, #tpu.memory_space<semaphore_mem>>
      %dma_start3A = arith.constant 0 : i32
      %dma_start3A_135 = tpu.memref_slice %arg15[%mul3A_27, %dma_start3A] : memref<10240x64xf32, #tpu.memory_space<vmem_shared>> -> memref<128x64xf32, #tpu.memory_space<vmem_shared>>
      %dma_start3A_136 = arith.constant 0 : i32
      %dma_start3A_137 = tpu.memref_slice %arg15[%mul3A_27, %dma_start3A_136] : memref<10240x64xf32, #tpu.memory_space<vmem_shared>> -> memref<128x64xf32, #tpu.memory_space<vmem_shared>>
      tpu.enqueue_dma source(%arg9 : memref<128x64xf32, #tpu.memory_space<vmem>>) target(%dma_start3A_137 : memref<128x64xf32, #tpu.memory_space<vmem_shared>>) target_semaphore(%run_scoped3A : memref<!tpu.dma_semaphore, #tpu.memory_space<semaphore_mem>>)
      %dma_wait3A_138 = arith.constant 0 : i32
      %dma_wait3A_139 = tpu.memref_slice %arg15[%mul3A_27, %dma_wait3A_138] : memref<10240x64xf32, #tpu.memory_space<vmem_shared>> -> memref<128x64xf32, #tpu.memory_space<vmem_shared>>
      %dma_wait3A_140 = arith.constant 0 : i32
      %dma_wait3A_141 = tpu.memref_slice %arg15[%mul3A_27, %dma_wait3A_140] : memref<10240x64xf32, #tpu.memory_space<vmem_shared>> -> memref<128x64xf32, #tpu.memory_space<vmem_shared>>
      tpu.wait_dma2 semaphore(%run_scoped3A : memref<!tpu.dma_semaphore, #tpu.memory_space<semaphore_mem>>) src(%arg9 : memref<128x64xf32, #tpu.memory_space<vmem>>) dst(%dma_wait3A_141 : memref<128x64xf32, #tpu.memory_space<vmem_shared>>)
      tpu.yield
    }) : () -> ()
    %mul3A_28 = arith.constant 5 : i32
    %mul3A_29 = arith.muli %arg1, %mul3A_28 : i32
    %add3A_30 = arith.constant 3 : i32
    %add3A_31 = arith.addi %mul3A_29, %add3A_30 : i32
    %mul3A_32 = arith.constant 128 : i32
    %mul3A_33 = arith.muli %add3A_31, %mul3A_32 : i32
    "tpu.region"() ({
      %run_scoped3A = tpu.sem_alloc : memref<!tpu.dma_semaphore, #tpu.memory_space<semaphore_mem>>
      %dma_start3A = arith.constant 0 : i32
      %dma_start3A_135 = tpu.memref_slice %arg15[%mul3A_33, %dma_start3A] : memref<10240x64xf32, #tpu.memory_space<vmem_shared>> -> memref<128x64xf32, #tpu.memory_space<vmem_shared>>
      %dma_start3A_136 = arith.constant 0 : i32
      %dma_start3A_137 = tpu.memref_slice %arg15[%mul3A_33, %dma_start3A_136] : memref<10240x64xf32, #tpu.memory_space<vmem_shared>> -> memref<128x64xf32, #tpu.memory_space<vmem_shared>>
      tpu.enqueue_dma source(%arg9 : memref<128x64xf32, #tpu.memory_space<vmem>>) target(%dma_start3A_137 : memref<128x64xf32, #tpu.memory_space<vmem_shared>>) target_semaphore(%run_scoped3A : memref<!tpu.dma_semaphore, #tpu.memory_space<semaphore_mem>>)
      %dma_wait3A_138 = arith.constant 0 : i32
      %dma_wait3A_139 = tpu.memref_slice %arg15[%mul3A_33, %dma_wait3A_138] : memref<10240x64xf32, #tpu.memory_space<vmem_shared>> -> memref<128x64xf32, #tpu.memory_space<vmem_shared>>
      %dma_wait3A_140 = arith.constant 0 : i32
      %dma_wait3A_141 = tpu.memref_slice %arg15[%mul3A_33, %dma_wait3A_140] : memref<10240x64xf32, #tpu.memory_space<vmem_shared>> -> memref<128x64xf32, #tpu.memory_space<vmem_shared>>
      tpu.wait_dma2 semaphore(%run_scoped3A : memref<!tpu.dma_semaphore, #tpu.memory_space<semaphore_mem>>) src(%arg9 : memref<128x64xf32, #tpu.memory_space<vmem>>) dst(%dma_wait3A_141 : memref<128x64xf32, #tpu.memory_space<vmem_shared>>)
      tpu.yield
    }) : () -> ()
    %mul3A_34 = arith.constant 5 : i32
    %mul3A_35 = arith.muli %arg1, %mul3A_34 : i32
    %add3A_36 = arith.constant 4 : i32
    %add3A_37 = arith.addi %mul3A_35, %add3A_36 : i32
    %mul3A_38 = arith.constant 128 : i32
    %mul3A_39 = arith.muli %add3A_37, %mul3A_38 : i32
    "tpu.region"() ({
      %run_scoped3A = tpu.sem_alloc : memref<!tpu.dma_semaphore, #tpu.memory_space<semaphore_mem>>
      %dma_start3A = arith.constant 0 : i32
      %dma_start3A_135 = tpu.memref_slice %arg15[%mul3A_39, %dma_start3A] : memref<10240x64xf32, #tpu.memory_space<vmem_shared>> -> memref<128x64xf32, #tpu.memory_space<vmem_shared>>
      %dma_start3A_136 = arith.constant 0 : i32
      %dma_start3A_137 = tpu.memref_slice %arg15[%mul3A_39, %dma_start3A_136] : memref<10240x64xf32, #tpu.memory_space<vmem_shared>> -> memref<128x64xf32, #tpu.memory_space<vmem_shared>>
      tpu.enqueue_dma source(%arg9 : memref<128x64xf32, #tpu.memory_space<vmem>>) target(%dma_start3A_137 : memref<128x64xf32, #tpu.memory_space<vmem_shared>>) target_semaphore(%run_scoped3A : memref<!tpu.dma_semaphore, #tpu.memory_space<semaphore_mem>>)
      %dma_wait3A_138 = arith.constant 0 : i32
      %dma_wait3A_139 = tpu.memref_slice %arg15[%mul3A_39, %dma_wait3A_138] : memref<10240x64xf32, #tpu.memory_space<vmem_shared>> -> memref<128x64xf32, #tpu.memory_space<vmem_shared>>
      %dma_wait3A_140 = arith.constant 0 : i32
      %dma_wait3A_141 = tpu.memref_slice %arg15[%mul3A_39, %dma_wait3A_140] : memref<10240x64xf32, #tpu.memory_space<vmem_shared>> -> memref<128x64xf32, #tpu.memory_space<vmem_shared>>
      tpu.wait_dma2 semaphore(%run_scoped3A : memref<!tpu.dma_semaphore, #tpu.memory_space<semaphore_mem>>) src(%arg9 : memref<128x64xf32, #tpu.memory_space<vmem>>) dst(%dma_wait3A_141 : memref<128x64xf32, #tpu.memory_space<vmem_shared>>)
      tpu.yield
    }) : () -> ()
    %scan3A_40 = arith.constant 0 : i32
    %scan3A_41 = arith.constant 0 : i32
    %scan3A_42 = arith.constant 128 : i32
    %scan3A_43 = arith.addi %scan3A_41, %scan3A_42 : i32
    %scan3A_44 = arith.constant 1 : i32
    %scan3A_45 = scf.for %scan3A_135 = %scan3A_41 to %scan3A_43 step %scan3A_44 iter_args(%scan3A_136 = %scan3A_40) -> (i32)  : i32 {
      %swap3A = arith.index_cast %scan3A_135 : i32 to index
      %swap3A_137 = arith.constant 0 : index
      %swap3A_138 = tpu.vector_load %arg26[%swap3A, %swap3A_137] {strides = array<i32>} : memref<128x16xf32, #tpu.memory_space<vmem>>, vector<1x16xf32>,
      %swap3A_139 = vector.shape_cast %swap3A_138 : vector<1x16xf32> to vector<16xf32>
      %swap3A_140 = vector.shape_cast %broadcast_in_dim3A_1 : vector<16xf32> to vector<1x16xf32>
      tpu.vector_store %arg26[%swap3A, %swap3A_137], %swap3A_140 {strides = array<i32>} : memref<128x16xf32, #tpu.memory_space<vmem>>, vector<1x16xf32>,
      %scan3A_141 = arith.constant 0 : i32
      scf.yield %scan3A_141 : i32
    }
    %scan3A_46 = arith.constant 128 : i32
    %mul3A_47 = arith.constant 5 : i32
    %mul3A_48 = arith.muli %arg1, %mul3A_47 : i32
    %add3A_49 = arith.constant 0 : i32
    %add3A_50 = arith.addi %mul3A_48, %add3A_49 : i32
    %mul3A_51 = arith.constant 128 : i32
    %mul3A_52 = arith.muli %add3A_50, %mul3A_51 : i32
    "tpu.region"() ({
      %run_scoped3A = tpu.sem_alloc : memref<!tpu.dma_semaphore, #tpu.memory_space<semaphore_mem>>
      %dma_start3A = arith.constant 0 : i32
      %dma_start3A_135 = tpu.memref_slice %arg27[%mul3A_52, %dma_start3A] : memref<10240x16xf32, #tpu.memory_space<vmem_shared>> -> memref<128x16xf32, #tpu.memory_space<vmem_shared>>
      %dma_start3A_136 = arith.constant 0 : i32
      %dma_start3A_137 = tpu.memref_slice %arg27[%mul3A_52, %dma_start3A_136] : memref<10240x16xf32, #tpu.memory_space<vmem_shared>> -> memref<128x16xf32, #tpu.memory_space<vmem_shared>>
      tpu.enqueue_dma source(%arg26 : memref<128x16xf32, #tpu.memory_space<vmem>>) target(%dma_start3A_137 : memref<128x16xf32, #tpu.memory_space<vmem_shared>>) target_semaphore(%run_scoped3A : memref<!tpu.dma_semaphore, #tpu.memory_space<semaphore_mem>>)
      %dma_wait3A_138 = arith.constant 0 : i32
      %dma_wait3A_139 = tpu.memref_slice %arg27[%mul3A_52, %dma_wait3A_138] : memref<10240x16xf32, #tpu.memory_space<vmem_shared>> -> memref<128x16xf32, #tpu.memory_space<vmem_shared>>
      %dma_wait3A_140 = arith.constant 0 : i32
      %dma_wait3A_141 = tpu.memref_slice %arg27[%mul3A_52, %dma_wait3A_140] : memref<10240x16xf32, #tpu.memory_space<vmem_shared>> -> memref<128x16xf32, #tpu.memory_space<vmem_shared>>
      tpu.wait_dma2 semaphore(%run_scoped3A : memref<!tpu.dma_semaphore, #tpu.memory_space<semaphore_mem>>) src(%arg26 : memref<128x16xf32, #tpu.memory_space<vmem>>) dst(%dma_wait3A_141 : memref<128x16xf32, #tpu.memory_space<vmem_shared>>)
      tpu.yield
    }) : () -> ()
    %mul3A_53 = arith.constant 5 : i32
    %mul3A_54 = arith.muli %arg1, %mul3A_53 : i32
    %add3A_55 = arith.constant 1 : i32
    %add3A_56 = arith.addi %mul3A_54, %add3A_55 : i32
    %mul3A_57 = arith.constant 128 : i32
    %mul3A_58 = arith.muli %add3A_56, %mul3A_57 : i32
    "tpu.region"() ({
      %run_scoped3A = tpu.sem_alloc : memref<!tpu.dma_semaphore, #tpu.memory_space<semaphore_mem>>
      %dma_start3A = arith.constant 0 : i32
      %dma_start3A_135 = tpu.memref_slice %arg27[%mul3A_58, %dma_start3A] : memref<10240x16xf32, #tpu.memory_space<vmem_shared>> -> memref<128x16xf32, #tpu.memory_space<vmem_shared>>
      %dma_start3A_136 = arith.constant 0 : i32
      %dma_start3A_137 = tpu.memref_slice %arg27[%mul3A_58, %dma_start3A_136] : memref<10240x16xf32, #tpu.memory_space<vmem_shared>> -> memref<128x16xf32, #tpu.memory_space<vmem_shared>>
      tpu.enqueue_dma source(%arg26 : memref<128x16xf32, #tpu.memory_space<vmem>>) target(%dma_start3A_137 : memref<128x16xf32, #tpu.memory_space<vmem_shared>>) target_semaphore(%run_scoped3A : memref<!tpu.dma_semaphore, #tpu.memory_space<semaphore_mem>>)
      %dma_wait3A_138 = arith.constant 0 : i32
      %dma_wait3A_139 = tpu.memref_slice %arg27[%mul3A_58, %dma_wait3A_138] : memref<10240x16xf32, #tpu.memory_space<vmem_shared>> -> memref<128x16xf32, #tpu.memory_space<vmem_shared>>
      %dma_wait3A_140 = arith.constant 0 : i32
      %dma_wait3A_141 = tpu.memref_slice %arg27[%mul3A_58, %dma_wait3A_140] : memref<10240x16xf32, #tpu.memory_space<vmem_shared>> -> memref<128x16xf32, #tpu.memory_space<vmem_shared>>
      tpu.wait_dma2 semaphore(%run_scoped3A : memref<!tpu.dma_semaphore, #tpu.memory_space<semaphore_mem>>) src(%arg26 : memref<128x16xf32, #tpu.memory_space<vmem>>) dst(%dma_wait3A_141 : memref<128x16xf32, #tpu.memory_space<vmem_shared>>)
      tpu.yield
    }) : () -> ()
    %mul3A_59 = arith.constant 5 : i32
    %mul3A_60 = arith.muli %arg1, %mul3A_59 : i32
    %add3A_61 = arith.constant 2 : i32
    %add3A_62 = arith.addi %mul3A_60, %add3A_61 : i32
    %mul3A_63 = arith.constant 128 : i32
    %mul3A_64 = arith.muli %add3A_62, %mul3A_63 : i32
    "tpu.region"() ({
      %run_scoped3A = tpu.sem_alloc : memref<!tpu.dma_semaphore, #tpu.memory_space<semaphore_mem>>
      %dma_start3A = arith.constant 0 : i32
      %dma_start3A_135 = tpu.memref_slice %arg27[%mul3A_64, %dma_start3A] : memref<10240x16xf32, #tpu.memory_space<vmem_shared>> -> memref<128x16xf32, #tpu.memory_space<vmem_shared>>
      %dma_start3A_136 = arith.constant 0 : i32
      %dma_start3A_137 = tpu.memref_slice %arg27[%mul3A_64, %dma_start3A_136] : memref<10240x16xf32, #tpu.memory_space<vmem_shared>> -> memref<128x16xf32, #tpu.memory_space<vmem_shared>>
      tpu.enqueue_dma source(%arg26 : memref<128x16xf32, #tpu.memory_space<vmem>>) target(%dma_start3A_137 : memref<128x16xf32, #tpu.memory_space<vmem_shared>>) target_semaphore(%run_scoped3A : memref<!tpu.dma_semaphore, #tpu.memory_space<semaphore_mem>>)
      %dma_wait3A_138 = arith.constant 0 : i32
      %dma_wait3A_139 = tpu.memref_slice %arg27[%mul3A_64, %dma_wait3A_138] : memref<10240x16xf32, #tpu.memory_space<vmem_shared>> -> memref<128x16xf32, #tpu.memory_space<vmem_shared>>
      %dma_wait3A_140 = arith.constant 0 : i32
      %dma_wait3A_141 = tpu.memref_slice %arg27[%mul3A_64, %dma_wait3A_140] : memref<10240x16xf32, #tpu.memory_space<vmem_shared>> -> memref<128x16xf32, #tpu.memory_space<vmem_shared>>
      tpu.wait_dma2 semaphore(%run_scoped3A : memref<!tpu.dma_semaphore, #tpu.memory_space<semaphore_mem>>) src(%arg26 : memref<128x16xf32, #tpu.memory_space<vmem>>) dst(%dma_wait3A_141 : memref<128x16xf32, #tpu.memory_space<vmem_shared>>)
      tpu.yield
    }) : () -> ()
    %mul3A_65 = arith.constant 5 : i32
    %mul3A_66 = arith.muli %arg1, %mul3A_65 : i32
    %add3A_67 = arith.constant 3 : i32
    %add3A_68 = arith.addi %mul3A_66, %add3A_67 : i32
    %mul3A_69 = arith.constant 128 : i32
    %mul3A_70 = arith.muli %add3A_68, %mul3A_69 : i32
    "tpu.region"() ({
      %run_scoped3A = tpu.sem_alloc : memref<!tpu.dma_semaphore, #tpu.memory_space<semaphore_mem>>
      %dma_start3A = arith.constant 0 : i32
      %dma_start3A_135 = tpu.memref_slice %arg27[%mul3A_70, %dma_start3A] : memref<10240x16xf32, #tpu.memory_space<vmem_shared>> -> memref<128x16xf32, #tpu.memory_space<vmem_shared>>
      %dma_start3A_136 = arith.constant 0 : i32
      %dma_start3A_137 = tpu.memref_slice %arg27[%mul3A_70, %dma_start3A_136] : memref<10240x16xf32, #tpu.memory_space<vmem_shared>> -> memref<128x16xf32, #tpu.memory_space<vmem_shared>>
      tpu.enqueue_dma source(%arg26 : memref<128x16xf32, #tpu.memory_space<vmem>>) target(%dma_start3A_137 : memref<128x16xf32, #tpu.memory_space<vmem_shared>>) target_semaphore(%run_scoped3A : memref<!tpu.dma_semaphore, #tpu.memory_space<semaphore_mem>>)
      %dma_wait3A_138 = arith.constant 0 : i32
      %dma_wait3A_139 = tpu.memref_slice %arg27[%mul3A_70, %dma_wait3A_138] : memref<10240x16xf32, #tpu.memory_space<vmem_shared>> -> memref<128x16xf32, #tpu.memory_space<vmem_shared>>
      %dma_wait3A_140 = arith.constant 0 : i32
      %dma_wait3A_141 = tpu.memref_slice %arg27[%mul3A_70, %dma_wait3A_140] : memref<10240x16xf32, #tpu.memory_space<vmem_shared>> -> memref<128x16xf32, #tpu.memory_space<vmem_shared>>
      tpu.wait_dma2 semaphore(%run_scoped3A : memref<!tpu.dma_semaphore, #tpu.memory_space<semaphore_mem>>) src(%arg26 : memref<128x16xf32, #tpu.memory_space<vmem>>) dst(%dma_wait3A_141 : memref<128x16xf32, #tpu.memory_space<vmem_shared>>)
      tpu.yield
    }) : () -> ()
    %mul3A_71 = arith.constant 5 : i32
    %mul3A_72 = arith.muli %arg1, %mul3A_71 : i32
    %add3A_73 = arith.constant 4 : i32
    %add3A_74 = arith.addi %mul3A_72, %add3A_73 : i32
    %mul3A_75 = arith.constant 128 : i32
    %mul3A_76 = arith.muli %add3A_74, %mul3A_75 : i32
    "tpu.region"() ({
      %run_scoped3A = tpu.sem_alloc : memref<!tpu.dma_semaphore, #tpu.memory_space<semaphore_mem>>
      %dma_start3A = arith.constant 0 : i32
      %dma_start3A_135 = tpu.memref_slice %arg27[%mul3A_76, %dma_start3A] : memref<10240x16xf32, #tpu.memory_space<vmem_shared>> -> memref<128x16xf32, #tpu.memory_space<vmem_shared>>
      %dma_start3A_136 = arith.constant 0 : i32
      %dma_start3A_137 = tpu.memref_slice %arg27[%mul3A_76, %dma_start3A_136] : memref<10240x16xf32, #tpu.memory_space<vmem_shared>> -> memref<128x16xf32, #tpu.memory_space<vmem_shared>>
      tpu.enqueue_dma source(%arg26 : memref<128x16xf32, #tpu.memory_space<vmem>>) target(%dma_start3A_137 : memref<128x16xf32, #tpu.memory_space<vmem_shared>>) target_semaphore(%run_scoped3A : memref<!tpu.dma_semaphore, #tpu.memory_space<semaphore_mem>>)
      %dma_wait3A_138 = arith.constant 0 : i32
      %dma_wait3A_139 = tpu.memref_slice %arg27[%mul3A_76, %dma_wait3A_138] : memref<10240x16xf32, #tpu.memory_space<vmem_shared>> -> memref<128x16xf32, #tpu.memory_space<vmem_shared>>
      %dma_wait3A_140 = arith.constant 0 : i32
      %dma_wait3A_141 = tpu.memref_slice %arg27[%mul3A_76, %dma_wait3A_140] : memref<10240x16xf32, #tpu.memory_space<vmem_shared>> -> memref<128x16xf32, #tpu.memory_space<vmem_shared>>
      tpu.wait_dma2 semaphore(%run_scoped3A : memref<!tpu.dma_semaphore, #tpu.memory_space<semaphore_mem>>) src(%arg26 : memref<128x16xf32, #tpu.memory_space<vmem>>) dst(%dma_wait3A_141 : memref<128x16xf32, #tpu.memory_space<vmem_shared>>)
      tpu.yield
    }) : () -> ()
    %scan3A_77 = arith.constant 0 : i32
    %scan3A_78 = arith.constant 0 : i32
    %scan3A_79 = arith.constant 128 : i32
    %scan3A_80 = arith.addi %scan3A_78, %scan3A_79 : i32
    %scan3A_81 = arith.constant 1 : i32
    %scan3A_82 = scf.for %scan3A_135 = %scan3A_78 to %scan3A_80 step %scan3A_81 iter_args(%scan3A_136 = %scan3A_77) -> (i32)  : i32 {
      %swap3A = arith.index_cast %scan3A_135 : i32 to index
      %swap3A_137 = arith.constant 0 : index
      %swap3A_138 = tpu.vector_load %arg26[%swap3A, %swap3A_137] {strides = array<i32>} : memref<128x16xf32, #tpu.memory_space<vmem>>, vector<1x16xf32>,
      %swap3A_139 = vector.shape_cast %swap3A_138 : vector<1x16xf32> to vector<16xf32>
      %swap3A_140 = vector.shape_cast %broadcast_in_dim3A_3 : vector<16xf32> to vector<1x16xf32>
      tpu.vector_store %arg26[%swap3A, %swap3A_137], %swap3A_140 {strides = array<i32>} : memref<128x16xf32, #tpu.memory_space<vmem>>, vector<1x16xf32>,
      %scan3A_141 = arith.constant 0 : i32
      scf.yield %scan3A_141 : i32
    }
    %scan3A_83 = arith.constant 128 : i32
    "tpu.region"() ({
      %run_scoped3A = tpu.sem_alloc : memref<!tpu.dma_semaphore, #tpu.memory_space<semaphore_mem>>
      %dma_start3A = arith.constant 0 : i32
      %dma_start3A_135 = arith.constant 0 : i32
      %dma_start3A_136 = tpu.memref_slice %arg3[%add3A, %dma_start3A, %dma_start3A_135] : memref<32x80x128xi32, #tpu.memory_space<hbm>> -> memref<1x80x128xi32, #tpu.memory_space<hbm>>
      %dma_start3A_137 = tpu.memref_squeeze %dma_start3A_136 : memref<1x80x128xi32, #tpu.memory_space<hbm>> -> memref<80x128xi32, #tpu.memory_space<hbm>>
      %dma_start3A_138 = arith.constant 0 : i32
      %dma_start3A_139 = arith.constant 0 : i32
      %dma_start3A_140 = tpu.memref_slice %arg3[%add3A, %dma_start3A_138, %dma_start3A_139] : memref<32x80x128xi32, #tpu.memory_space<hbm>> -> memref<1x80x128xi32, #tpu.memory_space<hbm>>
      %dma_start3A_141 = tpu.memref_squeeze %dma_start3A_140 : memref<1x80x128xi32, #tpu.memory_space<hbm>> -> memref<80x128xi32, #tpu.memory_space<hbm>>
      tpu.enqueue_dma source(%dma_start3A_141 : memref<80x128xi32, #tpu.memory_space<hbm>>) target(%arg7 : memref<80x128xi32, #tpu.memory_space<vmem>>) target_semaphore(%run_scoped3A : memref<!tpu.dma_semaphore, #tpu.memory_space<semaphore_mem>>)
      %dma_wait3A_142 = arith.constant 0 : i32
      %dma_wait3A_143 = arith.constant 0 : i32
      %dma_wait3A_144 = tpu.memref_slice %arg3[%add3A, %dma_wait3A_142, %dma_wait3A_143] : memref<32x80x128xi32, #tpu.memory_space<hbm>> -> memref<1x80x128xi32, #tpu.memory_space<hbm>>
      %dma_wait3A_145 = tpu.memref_squeeze %dma_wait3A_144 : memref<1x80x128xi32, #tpu.memory_space<hbm>> -> memref<80x128xi32, #tpu.memory_space<hbm>>
      %dma_wait3A_146 = arith.constant 0 : i32
      %dma_wait3A_147 = arith.constant 0 : i32
      %dma_wait3A_148 = tpu.memref_slice %arg3[%add3A, %dma_wait3A_146, %dma_wait3A_147] : memref<32x80x128xi32, #tpu.memory_space<hbm>> -> memref<1x80x128xi32, #tpu.memory_space<hbm>>
      %dma_wait3A_149 = tpu.memref_squeeze %dma_wait3A_148 : memref<1x80x128xi32, #tpu.memory_space<hbm>> -> memref<80x128xi32, #tpu.memory_space<hbm>>
      tpu.wait_dma2 semaphore(%run_scoped3A : memref<!tpu.dma_semaphore, #tpu.memory_space<semaphore_mem>>) src(%dma_wait3A_149 : memref<80x128xi32, #tpu.memory_space<hbm>>) dst(%arg7 : memref<80x128xi32, #tpu.memory_space<vmem>>)
      tpu.yield
    }) : () -> ()
    "tpu.region"() ({
      %run_scoped3A = tpu.sem_alloc : memref<!tpu.dma_semaphore, #tpu.memory_space<semaphore_mem>>
      %dma_start3A = arith.constant 0 : i32
      %dma_start3A_135 = arith.constant 0 : i32
      %dma_start3A_136 = tpu.memref_slice %arg4[%add3A, %dma_start3A, %dma_start3A_135] : memref<32x80x128xi32, #tpu.memory_space<hbm>> -> memref<1x80x128xi32, #tpu.memory_space<hbm>>
      %dma_start3A_137 = tpu.memref_squeeze %dma_start3A_136 : memref<1x80x128xi32, #tpu.memory_space<hbm>> -> memref<80x128xi32, #tpu.memory_space<hbm>>
      %dma_start3A_138 = arith.constant 0 : i32
      %dma_start3A_139 = arith.constant 0 : i32
      %dma_start3A_140 = tpu.memref_slice %arg4[%add3A, %dma_start3A_138, %dma_start3A_139] : memref<32x80x128xi32, #tpu.memory_space<hbm>> -> memref<1x80x128xi32, #tpu.memory_space<hbm>>
      %dma_start3A_141 = tpu.memref_squeeze %dma_start3A_140 : memref<1x80x128xi32, #tpu.memory_space<hbm>> -> memref<80x128xi32, #tpu.memory_space<hbm>>
      tpu.enqueue_dma source(%dma_start3A_141 : memref<80x128xi32, #tpu.memory_space<hbm>>) target(%arg8 : memref<80x128xi32, #tpu.memory_space<vmem>>) target_semaphore(%run_scoped3A : memref<!tpu.dma_semaphore, #tpu.memory_space<semaphore_mem>>)
      %dma_wait3A_142 = arith.constant 0 : i32
      %dma_wait3A_143 = arith.constant 0 : i32
      %dma_wait3A_144 = tpu.memref_slice %arg4[%add3A, %dma_wait3A_142, %dma_wait3A_143] : memref<32x80x128xi32, #tpu.memory_space<hbm>> -> memref<1x80x128xi32, #tpu.memory_space<hbm>>
      %dma_wait3A_145 = tpu.memref_squeeze %dma_wait3A_144 : memref<1x80x128xi32, #tpu.memory_space<hbm>> -> memref<80x128xi32, #tpu.memory_space<hbm>>
      %dma_wait3A_146 = arith.constant 0 : i32
      %dma_wait3A_147 = arith.constant 0 : i32
      %dma_wait3A_148 = tpu.memref_slice %arg4[%add3A, %dma_wait3A_146, %dma_wait3A_147] : memref<32x80x128xi32, #tpu.memory_space<hbm>> -> memref<1x80x128xi32, #tpu.memory_space<hbm>>
      %dma_wait3A_149 = tpu.memref_squeeze %dma_wait3A_148 : memref<1x80x128xi32, #tpu.memory_space<hbm>> -> memref<80x128xi32, #tpu.memory_space<hbm>>
      tpu.wait_dma2 semaphore(%run_scoped3A : memref<!tpu.dma_semaphore, #tpu.memory_space<semaphore_mem>>) src(%dma_wait3A_149 : memref<80x128xi32, #tpu.memory_space<hbm>>) dst(%arg8 : memref<80x128xi32, #tpu.memory_space<vmem>>)
      tpu.yield
    }) : () -> ()
    %barrier3A = arith.constant 0 : index
    tpu.barrier barrier_id(%barrier3A)
    %scan3A_84 = arith.constant 0 : i32
    %scan3A_85 = arith.constant 0 : i32
    %scan3A_86 = arith.constant 16 : i32
    %scan3A_87 = arith.addi %scan3A_85, %scan3A_86 : i32
    %scan3A_88 = arith.constant 1 : i32
    %scan3A_89 = scf.for %scan3A_135 = %scan3A_85 to %scan3A_87 step %scan3A_88 iter_args(%scan3A_136 = %scan3A_84) -> (i32)  : i32 {
      %mul3A_137 = arith.constant 5 : i32
      %mul3A_138 = arith.muli %scan3A_135, %mul3A_137 : i32
      %gt3A = arith.constant 0 : i32
      %gt3A_139 = arith.cmpi sgt, %scan3A_135, %gt3A : i32
      %convert_element_type3A = arith.extui %gt3A_139 : i1 to i32
      %cond3A = arith.constant 0 : i32
      %cond3A_140 = arith.cmpi ne, %convert_element_type3A, %cond3A : i32
      scf.if %cond3A_140 {
        %dma_wait3A_321 = arith.constant 0 : i32
        %dma_wait3A_322 = arith.constant 0 : i32
        %dma_wait3A_323 = tpu.memref_slice %arg8[%dma_wait3A_321, %dma_wait3A_322] : memref<80x128xi32, #tpu.memory_space<vmem>> -> memref<1x128xi32, #tpu.memory_space<vmem>>
        %dma_wait3A_324 = tpu.memref_squeeze %dma_wait3A_323 : memref<1x128xi32, #tpu.memory_space<vmem>> -> memref<128xi32, #tpu.memory_space<vmem>>
        %dma_wait3A_325 = arith.constant 0 : i32
        %dma_wait3A_326 = arith.constant 0 : i32
        %dma_wait3A_327 = tpu.memref_slice %arg15[%dma_wait3A_325, %dma_wait3A_326] : memref<10240x64xf32, #tpu.memory_space<vmem_shared>> -> memref<10240x64xf32, #tpu.memory_space<vmem_shared>>
        tpu.wait_indirect_dma semaphore(%arg21 : memref<!tpu.dma_semaphore, #tpu.memory_space<semaphore_mem>>) src(%arg9 : memref<128x64xf32, #tpu.memory_space<vmem>>) dst(%dma_wait3A_327 : memref<10240x64xf32, #tpu.memory_space<vmem_shared>>)
      } else {
      }
      %add3A_141 = arith.constant 0 : i32
      %add3A_142 = arith.addi %mul3A_138, %add3A_141 : i32
      %dma_start3A = arith.constant 0 : i32
      %dma_start3A_143 = tpu.memref_slice %arg7[%add3A_142, %dma_start3A] : memref<80x128xi32, #tpu.memory_space<vmem>> -> memref<1x128xi32, #tpu.memory_space<vmem>>
      %dma_start3A_144 = tpu.memref_squeeze %dma_start3A_143 : memref<1x128xi32, #tpu.memory_space<vmem>> -> memref<128xi32, #tpu.memory_space<vmem>>
      %dma_start3A_145 = arith.constant 0 : i32
      %dma_start3A_146 = arith.constant 0 : i32
      %dma_start3A_147 = tpu.memref_slice %arg2[%dma_start3A_145, %dma_start3A_146] : memref<10000x64xf32, #tpu.memory_space<hbm>> -> memref<10000x64xf32, #tpu.memory_space<hbm>>
      tpu.enqueue_indirect_dma source(%dma_start3A_147 : memref<10000x64xf32, #tpu.memory_space<hbm>>) target(%arg9 : memref<128x64xf32, #tpu.memory_space<vmem>>) offsets(%dma_start3A_144 : memref<128xi32, #tpu.memory_space<vmem>>) semaphore(%arg16 : memref<!tpu.dma_semaphore, #tpu.memory_space<semaphore_mem>>)
      %gt3A_148 = arith.constant 0 : i32
      %gt3A_149 = arith.cmpi sgt, %scan3A_135, %gt3A_148 : i32
      %convert_element_type3A_150 = arith.extui %gt3A_149 : i1 to i32
      %cond3A_151 = arith.constant 0 : i32
      %cond3A_152 = arith.cmpi ne, %convert_element_type3A_150, %cond3A_151 : i32
      scf.if %cond3A_152 {
        %dma_wait3A_321 = arith.constant 0 : i32
        %dma_wait3A_322 = arith.constant 0 : i32
        %dma_wait3A_323 = tpu.memref_slice %arg8[%dma_wait3A_321, %dma_wait3A_322] : memref<80x128xi32, #tpu.memory_space<vmem>> -> memref<1x128xi32, #tpu.memory_space<vmem>>
        %dma_wait3A_324 = tpu.memref_squeeze %dma_wait3A_323 : memref<1x128xi32, #tpu.memory_space<vmem>> -> memref<128xi32, #tpu.memory_space<vmem>>
        %dma_wait3A_325 = arith.constant 0 : i32
        %dma_wait3A_326 = arith.constant 0 : i32
        %dma_wait3A_327 = tpu.memref_slice %arg15[%dma_wait3A_325, %dma_wait3A_326] : memref<10240x64xf32, #tpu.memory_space<vmem_shared>> -> memref<10240x64xf32, #tpu.memory_space<vmem_shared>>
        tpu.wait_indirect_dma semaphore(%arg22 : memref<!tpu.dma_semaphore, #tpu.memory_space<semaphore_mem>>) src(%arg10 : memref<128x64xf32, #tpu.memory_space<vmem>>) dst(%dma_wait3A_327 : memref<10240x64xf32, #tpu.memory_space<vmem_shared>>)
      } else {
      }
      %add3A_153 = arith.constant 1 : i32
      %add3A_154 = arith.addi %mul3A_138, %add3A_153 : i32
      %dma_start3A_155 = arith.constant 0 : i32
      %dma_start3A_156 = tpu.memref_slice %arg7[%add3A_154, %dma_start3A_155] : memref<80x128xi32, #tpu.memory_space<vmem>> -> memref<1x128xi32, #tpu.memory_space<vmem>>
      %dma_start3A_157 = tpu.memref_squeeze %dma_start3A_156 : memref<1x128xi32, #tpu.memory_space<vmem>> -> memref<128xi32, #tpu.memory_space<vmem>>
      %dma_start3A_158 = arith.constant 0 : i32
      %dma_start3A_159 = arith.constant 0 : i32
      %dma_start3A_160 = tpu.memref_slice %arg2[%dma_start3A_158, %dma_start3A_159] : memref<10000x64xf32, #tpu.memory_space<hbm>> -> memref<10000x64xf32, #tpu.memory_space<hbm>>
      tpu.enqueue_indirect_dma source(%dma_start3A_160 : memref<10000x64xf32, #tpu.memory_space<hbm>>) target(%arg10 : memref<128x64xf32, #tpu.memory_space<vmem>>) offsets(%dma_start3A_157 : memref<128xi32, #tpu.memory_space<vmem>>) semaphore(%arg17 : memref<!tpu.dma_semaphore, #tpu.memory_space<semaphore_mem>>)
      %gt3A_161 = arith.constant 0 : i32
      %gt3A_162 = arith.cmpi sgt, %scan3A_135, %gt3A_161 : i32
      %convert_element_type3A_163 = arith.extui %gt3A_162 : i1 to i32
      %cond3A_164 = arith.constant 0 : i32
      %cond3A_165 = arith.cmpi ne, %convert_element_type3A_163, %cond3A_164 : i32
      scf.if %cond3A_165 {
        %dma_wait3A_321 = arith.constant 0 : i32
        %dma_wait3A_322 = arith.constant 0 : i32
        %dma_wait3A_323 = tpu.memref_slice %arg8[%dma_wait3A_321, %dma_wait3A_322] : memref<80x128xi32, #tpu.memory_space<vmem>> -> memref<1x128xi32, #tpu.memory_space<vmem>>
        %dma_wait3A_324 = tpu.memref_squeeze %dma_wait3A_323 : memref<1x128xi32, #tpu.memory_space<vmem>> -> memref<128xi32, #tpu.memory_space<vmem>>
        %dma_wait3A_325 = arith.constant 0 : i32
        %dma_wait3A_326 = arith.constant 0 : i32
        %dma_wait3A_327 = tpu.memref_slice %arg15[%dma_wait3A_325, %dma_wait3A_326] : memref<10240x64xf32, #tpu.memory_space<vmem_shared>> -> memref<10240x64xf32, #tpu.memory_space<vmem_shared>>
        tpu.wait_indirect_dma semaphore(%arg23 : memref<!tpu.dma_semaphore, #tpu.memory_space<semaphore_mem>>) src(%arg11 : memref<128x64xf32, #tpu.memory_space<vmem>>) dst(%dma_wait3A_327 : memref<10240x64xf32, #tpu.memory_space<vmem_shared>>)
      } else {
      }
      %add3A_166 = arith.constant 2 : i32
      %add3A_167 = arith.addi %mul3A_138, %add3A_166 : i32
      %dma_start3A_168 = arith.constant 0 : i32
      %dma_start3A_169 = tpu.memref_slice %arg7[%add3A_167, %dma_start3A_168] : memref<80x128xi32, #tpu.memory_space<vmem>> -> memref<1x128xi32, #tpu.memory_space<vmem>>
      %dma_start3A_170 = tpu.memref_squeeze %dma_start3A_169 : memref<1x128xi32, #tpu.memory_space<vmem>> -> memref<128xi32, #tpu.memory_space<vmem>>
      %dma_start3A_171 = arith.constant 0 : i32
      %dma_start3A_172 = arith.constant 0 : i32
      %dma_start3A_173 = tpu.memref_slice %arg2[%dma_start3A_171, %dma_start3A_172] : memref<10000x64xf32, #tpu.memory_space<hbm>> -> memref<10000x64xf32, #tpu.memory_space<hbm>>
      tpu.enqueue_indirect_dma source(%dma_start3A_173 : memref<10000x64xf32, #tpu.memory_space<hbm>>) target(%arg11 : memref<128x64xf32, #tpu.memory_space<vmem>>) offsets(%dma_start3A_170 : memref<128xi32, #tpu.memory_space<vmem>>) semaphore(%arg18 : memref<!tpu.dma_semaphore, #tpu.memory_space<semaphore_mem>>)
      %gt3A_174 = arith.constant 0 : i32
      %gt3A_175 = arith.cmpi sgt, %scan3A_135, %gt3A_174 : i32
      %convert_element_type3A_176 = arith.extui %gt3A_175 : i1 to i32
      %cond3A_177 = arith.constant 0 : i32
      %cond3A_178 = arith.cmpi ne, %convert_element_type3A_176, %cond3A_177 : i32
      scf.if %cond3A_178 {
        %dma_wait3A_321 = arith.constant 0 : i32
        %dma_wait3A_322 = arith.constant 0 : i32
        %dma_wait3A_323 = tpu.memref_slice %arg8[%dma_wait3A_321, %dma_wait3A_322] : memref<80x128xi32, #tpu.memory_space<vmem>> -> memref<1x128xi32, #tpu.memory_space<vmem>>
        %dma_wait3A_324 = tpu.memref_squeeze %dma_wait3A_323 : memref<1x128xi32, #tpu.memory_space<vmem>> -> memref<128xi32, #tpu.memory_space<vmem>>
        %dma_wait3A_325 = arith.constant 0 : i32
        %dma_wait3A_326 = arith.constant 0 : i32
        %dma_wait3A_327 = tpu.memref_slice %arg15[%dma_wait3A_325, %dma_wait3A_326] : memref<10240x64xf32, #tpu.memory_space<vmem_shared>> -> memref<10240x64xf32, #tpu.memory_space<vmem_shared>>
        tpu.wait_indirect_dma semaphore(%arg24 : memref<!tpu.dma_semaphore, #tpu.memory_space<semaphore_mem>>) src(%arg12 : memref<128x64xf32, #tpu.memory_space<vmem>>) dst(%dma_wait3A_327 : memref<10240x64xf32, #tpu.memory_space<vmem_shared>>)
      } else {
      }
      %add3A_179 = arith.constant 3 : i32
      %add3A_180 = arith.addi %mul3A_138, %add3A_179 : i32
      %dma_start3A_181 = arith.constant 0 : i32
      %dma_start3A_182 = tpu.memref_slice %arg7[%add3A_180, %dma_start3A_181] : memref<80x128xi32, #tpu.memory_space<vmem>> -> memref<1x128xi32, #tpu.memory_space<vmem>>
      %dma_start3A_183 = tpu.memref_squeeze %dma_start3A_182 : memref<1x128xi32, #tpu.memory_space<vmem>> -> memref<128xi32, #tpu.memory_space<vmem>>
      %dma_start3A_184 = arith.constant 0 : i32
      %dma_start3A_185 = arith.constant 0 : i32
      %dma_start3A_186 = tpu.memref_slice %arg2[%dma_start3A_184, %dma_start3A_185] : memref<10000x64xf32, #tpu.memory_space<hbm>> -> memref<10000x64xf32, #tpu.memory_space<hbm>>
      tpu.enqueue_indirect_dma source(%dma_start3A_186 : memref<10000x64xf32, #tpu.memory_space<hbm>>) target(%arg12 : memref<128x64xf32, #tpu.memory_space<vmem>>) offsets(%dma_start3A_183 : memref<128xi32, #tpu.memory_space<vmem>>) semaphore(%arg19 : memref<!tpu.dma_semaphore, #tpu.memory_space<semaphore_mem>>)
      %gt3A_187 = arith.constant 0 : i32
      %gt3A_188 = arith.cmpi sgt, %scan3A_135, %gt3A_187 : i32
      %convert_element_type3A_189 = arith.extui %gt3A_188 : i1 to i32
      %cond3A_190 = arith.constant 0 : i32
      %cond3A_191 = arith.cmpi ne, %convert_element_type3A_189, %cond3A_190 : i32
      scf.if %cond3A_191 {
        %dma_wait3A_321 = arith.constant 0 : i32
        %dma_wait3A_322 = arith.constant 0 : i32
        %dma_wait3A_323 = tpu.memref_slice %arg8[%dma_wait3A_321, %dma_wait3A_322] : memref<80x128xi32, #tpu.memory_space<vmem>> -> memref<1x128xi32, #tpu.memory_space<vmem>>
        %dma_wait3A_324 = tpu.memref_squeeze %dma_wait3A_323 : memref<1x128xi32, #tpu.memory_space<vmem>> -> memref<128xi32, #tpu.memory_space<vmem>>
        %dma_wait3A_325 = arith.constant 0 : i32
        %dma_wait3A_326 = arith.constant 0 : i32
        %dma_wait3A_327 = tpu.memref_slice %arg15[%dma_wait3A_325, %dma_wait3A_326] : memref<10240x64xf32, #tpu.memory_space<vmem_shared>> -> memref<10240x64xf32, #tpu.memory_space<vmem_shared>>
        tpu.wait_indirect_dma semaphore(%arg25 : memref<!tpu.dma_semaphore, #tpu.memory_space<semaphore_mem>>) src(%arg13 : memref<128x64xf32, #tpu.memory_space<vmem>>) dst(%dma_wait3A_327 : memref<10240x64xf32, #tpu.memory_space<vmem_shared>>)
      } else {
      }
      %add3A_192 = arith.constant 4 : i32
      %add3A_193 = arith.addi %mul3A_138, %add3A_192 : i32
      %dma_start3A_194 = arith.constant 0 : i32
      %dma_start3A_195 = tpu.memref_slice %arg7[%add3A_193, %dma_start3A_194] : memref<80x128xi32, #tpu.memory_space<vmem>> -> memref<1x128xi32, #tpu.memory_space<vmem>>
      %dma_start3A_196 = tpu.memref_squeeze %dma_start3A_195 : memref<1x128xi32, #tpu.memory_space<vmem>> -> memref<128xi32, #tpu.memory_space<vmem>>
      %dma_start3A_197 = arith.constant 0 : i32
      %dma_start3A_198 = arith.constant 0 : i32
      %dma_start3A_199 = tpu.memref_slice %arg2[%dma_start3A_197, %dma_start3A_198] : memref<10000x64xf32, #tpu.memory_space<hbm>> -> memref<10000x64xf32, #tpu.memory_space<hbm>>
      tpu.enqueue_indirect_dma source(%dma_start3A_199 : memref<10000x64xf32, #tpu.memory_space<hbm>>) target(%arg13 : memref<128x64xf32, #tpu.memory_space<vmem>>) offsets(%dma_start3A_196 : memref<128xi32, #tpu.memory_space<vmem>>) semaphore(%arg20 : memref<!tpu.dma_semaphore, #tpu.memory_space<semaphore_mem>>)
      %add3A_200 = arith.constant 0 : i32
      %add3A_201 = arith.addi %mul3A_138, %add3A_200 : i32
      %dma_wait3A_202 = arith.constant 0 : i32
      %dma_wait3A_203 = tpu.memref_slice %arg7[%add3A_201, %dma_wait3A_202] : memref<80x128xi32, #tpu.memory_space<vmem>> -> memref<1x128xi32, #tpu.memory_space<vmem>>
      %dma_wait3A_204 = tpu.memref_squeeze %dma_wait3A_203 : memref<1x128xi32, #tpu.memory_space<vmem>> -> memref<128xi32, #tpu.memory_space<vmem>>
      %dma_wait3A_205 = arith.constant 0 : i32
      %dma_wait3A_206 = arith.constant 0 : i32
      %dma_wait3A_207 = tpu.memref_slice %arg2[%dma_wait3A_205, %dma_wait3A_206] : memref<10000x64xf32, #tpu.memory_space<hbm>> -> memref<10000x64xf32, #tpu.memory_space<hbm>>
      tpu.wait_indirect_dma semaphore(%arg16 : memref<!tpu.dma_semaphore, #tpu.memory_space<semaphore_mem>>) src(%dma_wait3A_207 : memref<10000x64xf32, #tpu.memory_space<hbm>>) dst(%arg9 : memref<128x64xf32, #tpu.memory_space<vmem>>)
      %add3A_208 = arith.constant 0 : i32
      %add3A_209 = arith.addi %mul3A_138, %add3A_208 : i32
      %dma_start3A_210 = arith.constant 0 : i32
      %dma_start3A_211 = tpu.memref_slice %arg8[%add3A_209, %dma_start3A_210] : memref<80x128xi32, #tpu.memory_space<vmem>> -> memref<1x128xi32, #tpu.memory_space<vmem>>
      %dma_start3A_212 = tpu.memref_squeeze %dma_start3A_211 : memref<1x128xi32, #tpu.memory_space<vmem>> -> memref<128xi32, #tpu.memory_space<vmem>>
      %dma_start3A_213 = arith.constant 0 : i32
      %dma_start3A_214 = arith.constant 0 : i32
      %dma_start3A_215 = tpu.memref_slice %arg15[%dma_start3A_213, %dma_start3A_214] : memref<10240x64xf32, #tpu.memory_space<vmem_shared>> -> memref<10240x64xf32, #tpu.memory_space<vmem_shared>>
      tpu.enqueue_indirect_dma source(%arg9 : memref<128x64xf32, #tpu.memory_space<vmem>>) target(%dma_start3A_215 : memref<10240x64xf32, #tpu.memory_space<vmem_shared>>) offsets(%dma_start3A_212 : memref<128xi32, #tpu.memory_space<vmem>>) semaphore(%arg21 : memref<!tpu.dma_semaphore, #tpu.memory_space<semaphore_mem>>) {add = true}
      %add3A_216 = arith.constant 0 : i32
      %add3A_217 = arith.addi %mul3A_138, %add3A_216 : i32
      %dma_start3A_218 = arith.constant 0 : i32
      %dma_start3A_219 = tpu.memref_slice %arg8[%add3A_217, %dma_start3A_218] : memref<80x128xi32, #tpu.memory_space<vmem>> -> memref<1x128xi32, #tpu.memory_space<vmem>>
      %dma_start3A_220 = tpu.memref_squeeze %dma_start3A_219 : memref<1x128xi32, #tpu.memory_space<vmem>> -> memref<128xi32, #tpu.memory_space<vmem>>
      %dma_start3A_221 = arith.constant 0 : i32
      %dma_start3A_222 = arith.constant 0 : i32
      %dma_start3A_223 = tpu.memref_slice %arg27[%dma_start3A_221, %dma_start3A_222] : memref<10240x16xf32, #tpu.memory_space<vmem_shared>> -> memref<10240x16xf32, #tpu.memory_space<vmem_shared>>
      tpu.enqueue_indirect_dma source(%arg26 : memref<128x16xf32, #tpu.memory_space<vmem>>) target(%dma_start3A_223 : memref<10240x16xf32, #tpu.memory_space<vmem_shared>>) offsets(%dma_start3A_220 : memref<128xi32, #tpu.memory_space<vmem>>) semaphore(%arg28 : memref<!tpu.dma_semaphore, #tpu.memory_space<semaphore_mem>>) {add = true}
      %add3A_224 = arith.constant 1 : i32
      %add3A_225 = arith.addi %mul3A_138, %add3A_224 : i32
      %dma_wait3A_226 = arith.constant 0 : i32
      %dma_wait3A_227 = tpu.memref_slice %arg7[%add3A_225, %dma_wait3A_226] : memref<80x128xi32, #tpu.memory_space<vmem>> -> memref<1x128xi32, #tpu.memory_space<vmem>>
      %dma_wait3A_228 = tpu.memref_squeeze %dma_wait3A_227 : memref<1x128xi32, #tpu.memory_space<vmem>> -> memref<128xi32, #tpu.memory_space<vmem>>
      %dma_wait3A_229 = arith.constant 0 : i32
      %dma_wait3A_230 = arith.constant 0 : i32
      %dma_wait3A_231 = tpu.memref_slice %arg2[%dma_wait3A_229, %dma_wait3A_230] : memref<10000x64xf32, #tpu.memory_space<hbm>> -> memref<10000x64xf32, #tpu.memory_space<hbm>>
      tpu.wait_indirect_dma semaphore(%arg17 : memref<!tpu.dma_semaphore, #tpu.memory_space<semaphore_mem>>) src(%dma_wait3A_231 : memref<10000x64xf32, #tpu.memory_space<hbm>>) dst(%arg10 : memref<128x64xf32, #tpu.memory_space<vmem>>)
      %add3A_232 = arith.constant 1 : i32
      %add3A_233 = arith.addi %mul3A_138, %add3A_232 : i32
      %dma_start3A_234 = arith.constant 0 : i32
      %dma_start3A_235 = tpu.memref_slice %arg8[%add3A_233, %dma_start3A_234] : memref<80x128xi32, #tpu.memory_space<vmem>> -> memref<1x128xi32, #tpu.memory_space<vmem>>
      %dma_start3A_236 = tpu.memref_squeeze %dma_start3A_235 : memref<1x128xi32, #tpu.memory_space<vmem>> -> memref<128xi32, #tpu.memory_space<vmem>>
      %dma_start3A_237 = arith.constant 0 : i32
      %dma_start3A_238 = arith.constant 0 : i32
      %dma_start3A_239 = tpu.memref_slice %arg15[%dma_start3A_237, %dma_start3A_238] : memref<10240x64xf32, #tpu.memory_space<vmem_shared>> -> memref<10240x64xf32, #tpu.memory_space<vmem_shared>>
      tpu.enqueue_indirect_dma source(%arg10 : memref<128x64xf32, #tpu.memory_space<vmem>>) target(%dma_start3A_239 : memref<10240x64xf32, #tpu.memory_space<vmem_shared>>) offsets(%dma_start3A_236 : memref<128xi32, #tpu.memory_space<vmem>>) semaphore(%arg22 : memref<!tpu.dma_semaphore, #tpu.memory_space<semaphore_mem>>) {add = true}
      %add3A_240 = arith.constant 1 : i32
      %add3A_241 = arith.addi %mul3A_138, %add3A_240 : i32
      %dma_start3A_242 = arith.constant 0 : i32
      %dma_start3A_243 = tpu.memref_slice %arg8[%add3A_241, %dma_start3A_242] : memref<80x128xi32, #tpu.memory_space<vmem>> -> memref<1x128xi32, #tpu.memory_space<vmem>>
      %dma_start3A_244 = tpu.memref_squeeze %dma_start3A_243 : memref<1x128xi32, #tpu.memory_space<vmem>> -> memref<128xi32, #tpu.memory_space<vmem>>
      %dma_start3A_245 = arith.constant 0 : i32
      %dma_start3A_246 = arith.constant 0 : i32
      %dma_start3A_247 = tpu.memref_slice %arg27[%dma_start3A_245, %dma_start3A_246] : memref<10240x16xf32, #tpu.memory_space<vmem_shared>> -> memref<10240x16xf32, #tpu.memory_space<vmem_shared>>
      tpu.enqueue_indirect_dma source(%arg26 : memref<128x16xf32, #tpu.memory_space<vmem>>) target(%dma_start3A_247 : memref<10240x16xf32, #tpu.memory_space<vmem_shared>>) offsets(%dma_start3A_244 : memref<128xi32, #tpu.memory_space<vmem>>) semaphore(%arg28 : memref<!tpu.dma_semaphore, #tpu.memory_space<semaphore_mem>>) {add = true}
      %add3A_248 = arith.constant 2 : i32
      %add3A_249 = arith.addi %mul3A_138, %add3A_248 : i32
      %dma_wait3A_250 = arith.constant 0 : i32
      %dma_wait3A_251 = tpu.memref_slice %arg7[%add3A_249, %dma_wait3A_250] : memref<80x128xi32, #tpu.memory_space<vmem>> -> memref<1x128xi32, #tpu.memory_space<vmem>>
      %dma_wait3A_252 = tpu.memref_squeeze %dma_wait3A_251 : memref<1x128xi32, #tpu.memory_space<vmem>> -> memref<128xi32, #tpu.memory_space<vmem>>
      %dma_wait3A_253 = arith.constant 0 : i32
      %dma_wait3A_254 = arith.constant 0 : i32
      %dma_wait3A_255 = tpu.memref_slice %arg2[%dma_wait3A_253, %dma_wait3A_254] : memref<10000x64xf32, #tpu.memory_space<hbm>> -> memref<10000x64xf32, #tpu.memory_space<hbm>>
      tpu.wait_indirect_dma semaphore(%arg18 : memref<!tpu.dma_semaphore, #tpu.memory_space<semaphore_mem>>) src(%dma_wait3A_255 : memref<10000x64xf32, #tpu.memory_space<hbm>>) dst(%arg11 : memref<128x64xf32, #tpu.memory_space<vmem>>)
      %add3A_256 = arith.constant 2 : i32
      %add3A_257 = arith.addi %mul3A_138, %add3A_256 : i32
      %dma_start3A_258 = arith.constant 0 : i32
      %dma_start3A_259 = tpu.memref_slice %arg8[%add3A_257, %dma_start3A_258] : memref<80x128xi32, #tpu.memory_space<vmem>> -> memref<1x128xi32, #tpu.memory_space<vmem>>
      %dma_start3A_260 = tpu.memref_squeeze %dma_start3A_259 : memref<1x128xi32, #tpu.memory_space<vmem>> -> memref<128xi32, #tpu.memory_space<vmem>>
      %dma_start3A_261 = arith.constant 0 : i32
      %dma_start3A_262 = arith.constant 0 : i32
      %dma_start3A_263 = tpu.memref_slice %arg15[%dma_start3A_261, %dma_start3A_262] : memref<10240x64xf32, #tpu.memory_space<vmem_shared>> -> memref<10240x64xf32, #tpu.memory_space<vmem_shared>>
      tpu.enqueue_indirect_dma source(%arg11 : memref<128x64xf32, #tpu.memory_space<vmem>>) target(%dma_start3A_263 : memref<10240x64xf32, #tpu.memory_space<vmem_shared>>) offsets(%dma_start3A_260 : memref<128xi32, #tpu.memory_space<vmem>>) semaphore(%arg23 : memref<!tpu.dma_semaphore, #tpu.memory_space<semaphore_mem>>) {add = true}
      %add3A_264 = arith.constant 2 : i32
      %add3A_265 = arith.addi %mul3A_138, %add3A_264 : i32
      %dma_start3A_266 = arith.constant 0 : i32
      %dma_start3A_267 = tpu.memref_slice %arg8[%add3A_265, %dma_start3A_266] : memref<80x128xi32, #tpu.memory_space<vmem>> -> memref<1x128xi32, #tpu.memory_space<vmem>>
      %dma_start3A_268 = tpu.memref_squeeze %dma_start3A_267 : memref<1x128xi32, #tpu.memory_space<vmem>> -> memref<128xi32, #tpu.memory_space<vmem>>
      %dma_start3A_269 = arith.constant 0 : i32
      %dma_start3A_270 = arith.constant 0 : i32
      %dma_start3A_271 = tpu.memref_slice %arg27[%dma_start3A_269, %dma_start3A_270] : memref<10240x16xf32, #tpu.memory_space<vmem_shared>> -> memref<10240x16xf32, #tpu.memory_space<vmem_shared>>
      tpu.enqueue_indirect_dma source(%arg26 : memref<128x16xf32, #tpu.memory_space<vmem>>) target(%dma_start3A_271 : memref<10240x16xf32, #tpu.memory_space<vmem_shared>>) offsets(%dma_start3A_268 : memref<128xi32, #tpu.memory_space<vmem>>) semaphore(%arg28 : memref<!tpu.dma_semaphore, #tpu.memory_space<semaphore_mem>>) {add = true}
      %add3A_272 = arith.constant 3 : i32
      %add3A_273 = arith.addi %mul3A_138, %add3A_272 : i32
      %dma_wait3A_274 = arith.constant 0 : i32
      %dma_wait3A_275 = tpu.memref_slice %arg7[%add3A_273, %dma_wait3A_274] : memref<80x128xi32, #tpu.memory_space<vmem>> -> memref<1x128xi32, #tpu.memory_space<vmem>>
      %dma_wait3A_276 = tpu.memref_squeeze %dma_wait3A_275 : memref<1x128xi32, #tpu.memory_space<vmem>> -> memref<128xi32, #tpu.memory_space<vmem>>
      %dma_wait3A_277 = arith.constant 0 : i32
      %dma_wait3A_278 = arith.constant 0 : i32
      %dma_wait3A_279 = tpu.memref_slice %arg2[%dma_wait3A_277, %dma_wait3A_278] : memref<10000x64xf32, #tpu.memory_space<hbm>> -> memref<10000x64xf32, #tpu.memory_space<hbm>>
      tpu.wait_indirect_dma semaphore(%arg19 : memref<!tpu.dma_semaphore, #tpu.memory_space<semaphore_mem>>) src(%dma_wait3A_279 : memref<10000x64xf32, #tpu.memory_space<hbm>>) dst(%arg12 : memref<128x64xf32, #tpu.memory_space<vmem>>)
      %add3A_280 = arith.constant 3 : i32
      %add3A_281 = arith.addi %mul3A_138, %add3A_280 : i32
      %dma_start3A_282 = arith.constant 0 : i32
      %dma_start3A_283 = tpu.memref_slice %arg8[%add3A_281, %dma_start3A_282] : memref<80x128xi32, #tpu.memory_space<vmem>> -> memref<1x128xi32, #tpu.memory_space<vmem>>
      %dma_start3A_284 = tpu.memref_squeeze %dma_start3A_283 : memref<1x128xi32, #tpu.memory_space<vmem>> -> memref<128xi32, #tpu.memory_space<vmem>>
      %dma_start3A_285 = arith.constant 0 : i32
      %dma_start3A_286 = arith.constant 0 : i32
      %dma_start3A_287 = tpu.memref_slice %arg15[%dma_start3A_285, %dma_start3A_286] : memref<10240x64xf32, #tpu.memory_space<vmem_shared>> -> memref<10240x64xf32, #tpu.memory_space<vmem_shared>>
      tpu.enqueue_indirect_dma source(%arg12 : memref<128x64xf32, #tpu.memory_space<vmem>>) target(%dma_start3A_287 : memref<10240x64xf32, #tpu.memory_space<vmem_shared>>) offsets(%dma_start3A_284 : memref<128xi32, #tpu.memory_space<vmem>>) semaphore(%arg24 : memref<!tpu.dma_semaphore, #tpu.memory_space<semaphore_mem>>) {add = true}
      %add3A_288 = arith.constant 3 : i32
      %add3A_289 = arith.addi %mul3A_138, %add3A_288 : i32
      %dma_start3A_290 = arith.constant 0 : i32
      %dma_start3A_291 = tpu.memref_slice %arg8[%add3A_289, %dma_start3A_290] : memref<80x128xi32, #tpu.memory_space<vmem>> -> memref<1x128xi32, #tpu.memory_space<vmem>>
      %dma_start3A_292 = tpu.memref_squeeze %dma_start3A_291 : memref<1x128xi32, #tpu.memory_space<vmem>> -> memref<128xi32, #tpu.memory_space<vmem>>
      %dma_start3A_293 = arith.constant 0 : i32
      %dma_start3A_294 = arith.constant 0 : i32
      %dma_start3A_295 = tpu.memref_slice %arg27[%dma_start3A_293, %dma_start3A_294] : memref<10240x16xf32, #tpu.memory_space<vmem_shared>> -> memref<10240x16xf32, #tpu.memory_space<vmem_shared>>
      tpu.enqueue_indirect_dma source(%arg26 : memref<128x16xf32, #tpu.memory_space<vmem>>) target(%dma_start3A_295 : memref<10240x16xf32, #tpu.memory_space<vmem_shared>>) offsets(%dma_start3A_292 : memref<128xi32, #tpu.memory_space<vmem>>) semaphore(%arg28 : memref<!tpu.dma_semaphore, #tpu.memory_space<semaphore_mem>>) {add = true}
      %add3A_296 = arith.constant 4 : i32
      %add3A_297 = arith.addi %mul3A_138, %add3A_296 : i32
      %dma_wait3A_298 = arith.constant 0 : i32
      %dma_wait3A_299 = tpu.memref_slice %arg7[%add3A_297, %dma_wait3A_298] : memref<80x128xi32, #tpu.memory_space<vmem>> -> memref<1x128xi32, #tpu.memory_space<vmem>>
      %dma_wait3A_300 = tpu.memref_squeeze %dma_wait3A_299 : memref<1x128xi32, #tpu.memory_space<vmem>> -> memref<128xi32, #tpu.memory_space<vmem>>
      %dma_wait3A_301 = arith.constant 0 : i32
      %dma_wait3A_302 = arith.constant 0 : i32
      %dma_wait3A_303 = tpu.memref_slice %arg2[%dma_wait3A_301, %dma_wait3A_302] : memref<10000x64xf32, #tpu.memory_space<hbm>> -> memref<10000x64xf32, #tpu.memory_space<hbm>>
      tpu.wait_indirect_dma semaphore(%arg20 : memref<!tpu.dma_semaphore, #tpu.memory_space<semaphore_mem>>) src(%dma_wait3A_303 : memref<10000x64xf32, #tpu.memory_space<hbm>>) dst(%arg13 : memref<128x64xf32, #tpu.memory_space<vmem>>)
      %add3A_304 = arith.constant 4 : i32
      %add3A_305 = arith.addi %mul3A_138, %add3A_304 : i32
      %dma_start3A_306 = arith.constant 0 : i32
      %dma_start3A_307 = tpu.memref_slice %arg8[%add3A_305, %dma_start3A_306] : memref<80x128xi32, #tpu.memory_space<vmem>> -> memref<1x128xi32, #tpu.memory_space<vmem>>
      %dma_start3A_308 = tpu.memref_squeeze %dma_start3A_307 : memref<1x128xi32, #tpu.memory_space<vmem>> -> memref<128xi32, #tpu.memory_space<vmem>>
      %dma_start3A_309 = arith.constant 0 : i32
      %dma_start3A_310 = arith.constant 0 : i32
      %dma_start3A_311 = tpu.memref_slice %arg15[%dma_start3A_309, %dma_start3A_310] : memref<10240x64xf32, #tpu.memory_space<vmem_shared>> -> memref<10240x64xf32, #tpu.memory_space<vmem_shared>>
      tpu.enqueue_indirect_dma source(%arg13 : memref<128x64xf32, #tpu.memory_space<vmem>>) target(%dma_start3A_311 : memref<10240x64xf32, #tpu.memory_space<vmem_shared>>) offsets(%dma_start3A_308 : memref<128xi32, #tpu.memory_space<vmem>>) semaphore(%arg25 : memref<!tpu.dma_semaphore, #tpu.memory_space<semaphore_mem>>) {add = true}
      %add3A_312 = arith.constant 4 : i32
      %add3A_313 = arith.addi %mul3A_138, %add3A_312 : i32
      %dma_start3A_314 = arith.constant 0 : i32
      %dma_start3A_315 = tpu.memref_slice %arg8[%add3A_313, %dma_start3A_314] : memref<80x128xi32, #tpu.memory_space<vmem>> -> memref<1x128xi32, #tpu.memory_space<vmem>>
      %dma_start3A_316 = tpu.memref_squeeze %dma_start3A_315 : memref<1x128xi32, #tpu.memory_space<vmem>> -> memref<128xi32, #tpu.memory_space<vmem>>
      %dma_start3A_317 = arith.constant 0 : i32
      %dma_start3A_318 = arith.constant 0 : i32
      %dma_start3A_319 = tpu.memref_slice %arg27[%dma_start3A_317, %dma_start3A_318] : memref<10240x16xf32, #tpu.memory_space<vmem_shared>> -> memref<10240x16xf32, #tpu.memory_space<vmem_shared>>
      tpu.enqueue_indirect_dma source(%arg26 : memref<128x16xf32, #tpu.memory_space<vmem>>) target(%dma_start3A_319 : memref<10240x16xf32, #tpu.memory_space<vmem_shared>>) offsets(%dma_start3A_316 : memref<128xi32, #tpu.memory_space<vmem>>) semaphore(%arg28 : memref<!tpu.dma_semaphore, #tpu.memory_space<semaphore_mem>>) {add = true}
      %scan3A_320 = arith.constant 0 : i32
      scf.yield %scan3A_320 : i32
    }
    %scan3A_90 = arith.constant 16 : i32
    %dma_wait3A = arith.constant 0 : i32
    %dma_wait3A_91 = arith.constant 0 : i32
    %dma_wait3A_92 = tpu.memref_slice %arg8[%dma_wait3A, %dma_wait3A_91] : memref<80x128xi32, #tpu.memory_space<vmem>> -> memref<1x128xi32, #tpu.memory_space<vmem>>
    %dma_wait3A_93 = tpu.memref_squeeze %dma_wait3A_92 : memref<1x128xi32, #tpu.memory_space<vmem>> -> memref<128xi32, #tpu.memory_space<vmem>>
    %dma_wait3A_94 = arith.constant 0 : i32
    %dma_wait3A_95 = arith.constant 0 : i32
    %dma_wait3A_96 = tpu.memref_slice %arg15[%dma_wait3A_94, %dma_wait3A_95] : memref<10240x64xf32, #tpu.memory_space<vmem_shared>> -> memref<10240x64xf32, #tpu.memory_space<vmem_shared>>
    tpu.wait_indirect_dma semaphore(%arg21 : memref<!tpu.dma_semaphore, #tpu.memory_space<semaphore_mem>>) src(%arg9 : memref<128x64xf32, #tpu.memory_space<vmem>>) dst(%dma_wait3A_96 : memref<10240x64xf32, #tpu.memory_space<vmem_shared>>)
    %dma_wait3A_97 = arith.constant 0 : i32
    %dma_wait3A_98 = arith.constant 0 : i32
    %dma_wait3A_99 = tpu.memref_slice %arg8[%dma_wait3A_97, %dma_wait3A_98] : memref<80x128xi32, #tpu.memory_space<vmem>> -> memref<1x128xi32, #tpu.memory_space<vmem>>
    %dma_wait3A_100 = tpu.memref_squeeze %dma_wait3A_99 : memref<1x128xi32, #tpu.memory_space<vmem>> -> memref<128xi32, #tpu.memory_space<vmem>>
    %dma_wait3A_101 = arith.constant 0 : i32
    %dma_wait3A_102 = arith.constant 0 : i32
    %dma_wait3A_103 = tpu.memref_slice %arg15[%dma_wait3A_101, %dma_wait3A_102] : memref<10240x64xf32, #tpu.memory_space<vmem_shared>> -> memref<10240x64xf32, #tpu.memory_space<vmem_shared>>
    tpu.wait_indirect_dma semaphore(%arg22 : memref<!tpu.dma_semaphore, #tpu.memory_space<semaphore_mem>>) src(%arg10 : memref<128x64xf32, #tpu.memory_space<vmem>>) dst(%dma_wait3A_103 : memref<10240x64xf32, #tpu.memory_space<vmem_shared>>)
    %dma_wait3A_104 = arith.constant 0 : i32
    %dma_wait3A_105 = arith.constant 0 : i32
    %dma_wait3A_106 = tpu.memref_slice %arg8[%dma_wait3A_104, %dma_wait3A_105] : memref<80x128xi32, #tpu.memory_space<vmem>> -> memref<1x128xi32, #tpu.memory_space<vmem>>
    %dma_wait3A_107 = tpu.memref_squeeze %dma_wait3A_106 : memref<1x128xi32, #tpu.memory_space<vmem>> -> memref<128xi32, #tpu.memory_space<vmem>>
    %dma_wait3A_108 = arith.constant 0 : i32
    %dma_wait3A_109 = arith.constant 0 : i32
    %dma_wait3A_110 = tpu.memref_slice %arg15[%dma_wait3A_108, %dma_wait3A_109] : memref<10240x64xf32, #tpu.memory_space<vmem_shared>> -> memref<10240x64xf32, #tpu.memory_space<vmem_shared>>
    tpu.wait_indirect_dma semaphore(%arg23 : memref<!tpu.dma_semaphore, #tpu.memory_space<semaphore_mem>>) src(%arg11 : memref<128x64xf32, #tpu.memory_space<vmem>>) dst(%dma_wait3A_110 : memref<10240x64xf32, #tpu.memory_space<vmem_shared>>)
    %dma_wait3A_111 = arith.constant 0 : i32
    %dma_wait3A_112 = arith.constant 0 : i32
    %dma_wait3A_113 = tpu.memref_slice %arg8[%dma_wait3A_111, %dma_wait3A_112] : memref<80x128xi32, #tpu.memory_space<vmem>> -> memref<1x128xi32, #tpu.memory_space<vmem>>
    %dma_wait3A_114 = tpu.memref_squeeze %dma_wait3A_113 : memref<1x128xi32, #tpu.memory_space<vmem>> -> memref<128xi32, #tpu.memory_space<vmem>>
    %dma_wait3A_115 = arith.constant 0 : i32
    %dma_wait3A_116 = arith.constant 0 : i32
    %dma_wait3A_117 = tpu.memref_slice %arg15[%dma_wait3A_115, %dma_wait3A_116] : memref<10240x64xf32, #tpu.memory_space<vmem_shared>> -> memref<10240x64xf32, #tpu.memory_space<vmem_shared>>
    tpu.wait_indirect_dma semaphore(%arg24 : memref<!tpu.dma_semaphore, #tpu.memory_space<semaphore_mem>>) src(%arg12 : memref<128x64xf32, #tpu.memory_space<vmem>>) dst(%dma_wait3A_117 : memref<10240x64xf32, #tpu.memory_space<vmem_shared>>)
    %dma_wait3A_118 = arith.constant 0 : i32
    %dma_wait3A_119 = arith.constant 0 : i32
    %dma_wait3A_120 = tpu.memref_slice %arg8[%dma_wait3A_118, %dma_wait3A_119] : memref<80x128xi32, #tpu.memory_space<vmem>> -> memref<1x128xi32, #tpu.memory_space<vmem>>
    %dma_wait3A_121 = tpu.memref_squeeze %dma_wait3A_120 : memref<1x128xi32, #tpu.memory_space<vmem>> -> memref<128xi32, #tpu.memory_space<vmem>>
    %dma_wait3A_122 = arith.constant 0 : i32
    %dma_wait3A_123 = arith.constant 0 : i32
    %dma_wait3A_124 = tpu.memref_slice %arg15[%dma_wait3A_122, %dma_wait3A_123] : memref<10240x64xf32, #tpu.memory_space<vmem_shared>> -> memref<10240x64xf32, #tpu.memory_space<vmem_shared>>
    tpu.wait_indirect_dma semaphore(%arg25 : memref<!tpu.dma_semaphore, #tpu.memory_space<semaphore_mem>>) src(%arg13 : memref<128x64xf32, #tpu.memory_space<vmem>>) dst(%dma_wait3A_124 : memref<10240x64xf32, #tpu.memory_space<vmem_shared>>)
    %scan3A_125 = arith.constant 0 : i32
    %scan3A_126 = arith.constant 0 : i32
    %scan3A_127 = arith.constant 80 : i32
    %scan3A_128 = arith.addi %scan3A_126, %scan3A_127 : i32
    %scan3A_129 = arith.constant 1 : i32
    %scan3A_130 = scf.for %scan3A_135 = %scan3A_126 to %scan3A_128 step %scan3A_129 iter_args(%scan3A_136 = %scan3A_125) -> (i32)  : i32 {
      %dma_wait3A_137 = arith.constant 0 : i32
      %dma_wait3A_138 = arith.constant 0 : i32
      %dma_wait3A_139 = tpu.memref_slice %arg8[%dma_wait3A_137, %dma_wait3A_138] : memref<80x128xi32, #tpu.memory_space<vmem>> -> memref<1x128xi32, #tpu.memory_space<vmem>>
      %dma_wait3A_140 = tpu.memref_squeeze %dma_wait3A_139 : memref<1x128xi32, #tpu.memory_space<vmem>> -> memref<128xi32, #tpu.memory_space<vmem>>
      %dma_wait3A_141 = arith.constant 0 : i32
      %dma_wait3A_142 = arith.constant 0 : i32
      %dma_wait3A_143 = tpu.memref_slice %arg27[%dma_wait3A_141, %dma_wait3A_142] : memref<10240x16xf32, #tpu.memory_space<vmem_shared>> -> memref<10240x16xf32, #tpu.memory_space<vmem_shared>>
      tpu.wait_indirect_dma semaphore(%arg28 : memref<!tpu.dma_semaphore, #tpu.memory_space<semaphore_mem>>) src(%arg26 : memref<128x16xf32, #tpu.memory_space<vmem>>) dst(%dma_wait3A_143 : memref<10240x16xf32, #tpu.memory_space<vmem_shared>>)
      %scan3A_144 = arith.constant 0 : i32
      scf.yield %scan3A_144 : i32
    }
    %scan3A_131 = arith.constant 80 : i32
    %barrier3A_132 = arith.constant 0 : index
    tpu.barrier barrier_id(%barrier3A_132)
    %mul3A_133 = arith.constant 640 : i32
    %mul3A_134 = arith.muli %arg1, %mul3A_133 : i32
    "tpu.region"() ({
      %run_scoped3A = tpu.sem_alloc : memref<!tpu.dma_semaphore, #tpu.memory_space<semaphore_mem>>
      %dma_start3A = arith.constant 0 : i32
      %dma_start3A_135 = tpu.memref_slice %arg5[%arg0, %mul3A_134, %dma_start3A] : memref<2x10240x64xf32, #tpu.memory_space<hbm>> -> memref<1x640x64xf32, #tpu.memory_space<hbm>>
      %dma_start3A_136 = tpu.memref_squeeze %dma_start3A_135 : memref<1x640x64xf32, #tpu.memory_space<hbm>> -> memref<640x64xf32, #tpu.memory_space<hbm>>
      %dma_start3A_137 = arith.constant 0 : i32
      %dma_start3A_138 = tpu.memref_slice %arg15[%mul3A_134, %dma_start3A_137] : memref<10240x64xf32, #tpu.memory_space<vmem_shared>> -> memref<640x64xf32, #tpu.memory_space<vmem_shared>>
      tpu.enqueue_dma source(%dma_start3A_138 : memref<640x64xf32, #tpu.memory_space<vmem_shared>>) target(%dma_start3A_136 : memref<640x64xf32, #tpu.memory_space<hbm>>) target_semaphore(%run_scoped3A : memref<!tpu.dma_semaphore, #tpu.memory_space<semaphore_mem>>)
      %dma_wait3A_139 = arith.constant 0 : i32
      %dma_wait3A_140 = tpu.memref_slice %arg5[%arg0, %mul3A_134, %dma_wait3A_139] : memref<2x10240x64xf32, #tpu.memory_space<hbm>> -> memref<1x640x64xf32, #tpu.memory_space<hbm>>
      %dma_wait3A_141 = tpu.memref_squeeze %dma_wait3A_140 : memref<1x640x64xf32, #tpu.memory_space<hbm>> -> memref<640x64xf32, #tpu.memory_space<hbm>>
      %dma_wait3A_142 = arith.constant 0 : i32
      %dma_wait3A_143 = tpu.memref_slice %arg15[%mul3A_134, %dma_wait3A_142] : memref<10240x64xf32, #tpu.memory_space<vmem_shared>> -> memref<640x64xf32, #tpu.memory_space<vmem_shared>>
      tpu.wait_dma2 semaphore(%run_scoped3A : memref<!tpu.dma_semaphore, #tpu.memory_space<semaphore_mem>>) src(%dma_wait3A_143 : memref<640x64xf32, #tpu.memory_space<vmem_shared>>) dst(%dma_wait3A_141 : memref<640x64xf32, #tpu.memory_space<hbm>>)
      tpu.yield
    }) : () -> ()
    "tpu.region"() ({
      %run_scoped3A = tpu.sem_alloc : memref<!tpu.dma_semaphore, #tpu.memory_space<semaphore_mem>>
      %dma_start3A = arith.constant 0 : i32
      %dma_start3A_135 = tpu.memref_slice %arg6[%arg0, %mul3A_134, %dma_start3A] : memref<2x10240x16xf32, #tpu.memory_space<hbm>> -> memref<1x640x16xf32, #tpu.memory_space<hbm>>
      %dma_start3A_136 = tpu.memref_squeeze %dma_start3A_135 : memref<1x640x16xf32, #tpu.memory_space<hbm>> -> memref<640x16xf32, #tpu.memory_space<hbm>>
      %dma_start3A_137 = arith.constant 0 : i32
      %dma_start3A_138 = tpu.memref_slice %arg27[%mul3A_134, %dma_start3A_137] : memref<10240x16xf32, #tpu.memory_space<vmem_shared>> -> memref<640x16xf32, #tpu.memory_space<vmem_shared>>
      tpu.enqueue_dma source(%dma_start3A_138 : memref<640x16xf32, #tpu.memory_space<vmem_shared>>) target(%dma_start3A_136 : memref<640x16xf32, #tpu.memory_space<hbm>>) target_semaphore(%run_scoped3A : memref<!tpu.dma_semaphore, #tpu.memory_space<semaphore_mem>>)
      %dma_wait3A_139 = arith.constant 0 : i32
      %dma_wait3A_140 = tpu.memref_slice %arg6[%arg0, %mul3A_134, %dma_wait3A_139] : memref<2x10240x16xf32, #tpu.memory_space<hbm>> -> memref<1x640x16xf32, #tpu.memory_space<hbm>>
      %dma_wait3A_141 = tpu.memref_squeeze %dma_wait3A_140 : memref<1x640x16xf32, #tpu.memory_space<hbm>> -> memref<640x16xf32, #tpu.memory_space<hbm>>
      %dma_wait3A_142 = arith.constant 0 : i32
      %dma_wait3A_143 = tpu.memref_slice %arg27[%mul3A_134, %dma_wait3A_142] : memref<10240x16xf32, #tpu.memory_space<vmem_shared>> -> memref<640x16xf32, #tpu.memory_space<vmem_shared>>
      tpu.wait_dma2 semaphore(%run_scoped3A : memref<!tpu.dma_semaphore, #tpu.memory_space<semaphore_mem>>) src(%dma_wait3A_143 : memref<640x16xf32, #tpu.memory_space<vmem_shared>>) dst(%dma_wait3A_141 : memref<640x16xf32, #tpu.memory_space<hbm>>)
      tpu.yield
    }) : () -> ()
    return
  }
}

#map = affine_map<(d0, d1) -> (0, 0)>
#map1 = affine_map<(d0, d1) -> (0, 0, 0)>
module attributes {stable_mosaic.version = 14 : i64} {
  func.func @body(%arg0: i32, %arg1: i32, %arg2: memref<10000x64xf32, #tpu.memory_space<hbm>>, %arg3: memref<32x80x128xi32, #tpu.memory_space<hbm>>, %arg4: memref<32x80x128xi32, #tpu.memory_space<hbm>>, %arg5: memref<2x10240x64xf32, #tpu.memory_space<hbm>>, %arg6: memref<80x128xi32, #tpu.memory_space<vmem>>, %arg7: memref<80x128xi32, #tpu.memory_space<vmem>>, %arg8: memref<128x64xf32, #tpu.memory_space<vmem>>, %arg9: memref<128x64xf32, #tpu.memory_space<vmem>>, %arg10: memref<10000x64xf32, #tpu.memory_space<vmem_shared>>, %arg11: memref<10240x64xf32, #tpu.memory_space<vmem_shared>>, %arg12: memref<!tpu.dma_semaphore, #tpu.memory_space<semaphore_mem>>, %arg13: memref<!tpu.dma_semaphore, #tpu.memory_space<semaphore_mem>>, %arg14: memref<!tpu.dma_semaphore, #tpu.memory_space<semaphore_mem>>, %arg15: memref<!tpu.dma_semaphore, #tpu.memory_space<semaphore_mem>>) attributes {dimension_semantics = [#tpu.dimension_semantics<core_parallel>, #tpu.dimension_semantics<subcore_parallel>], iteration_bounds = array<i64: 2, 16>, scalar_prefetch = 0 : i64, scratch_operands = 10 : i64, tpu.core_type = #tpu.core_type<sc_vector_subcore>, window_params = [{transform_indices = #map}, {transform_indices = #map1}, {transform_indices = #map1}, {transform_indices = #map1}]} {
    %mul3A = arith.constant 16 : i32
    %mul3A_0 = arith.muli %arg0, %mul3A : i32
    %add3A = arith.addi %mul3A_0, %arg1 : i32
    %broadcast_in_dim3A = arith.constant 0.000000e+00 : f32
    %broadcast_in_dim3A_1 = vector.broadcast %broadcast_in_dim3A : f32 to vector<16xf32>
    %broadcast_in_dim3A_2 = arith.constant 1.000000e+00 : f32
    %broadcast_in_dim3A_3 = vector.broadcast %broadcast_in_dim3A_2 : f32 to vector<16xf32>
    %scan3A = arith.constant 0 : i32
    %scan3A_4 = arith.constant 0 : i32
    %scan3A_5 = arith.constant 128 : i32
    %scan3A_6 = arith.addi %scan3A_4, %scan3A_5 : i32
    %scan3A_7 = arith.constant 1 : i32
    %scan3A_8 = scf.for %scan3A_67 = %scan3A_4 to %scan3A_6 step %scan3A_7 iter_args(%scan3A_68 = %scan3A) -> (i32)  : i32 {
      %swap3A = arith.index_cast %scan3A_67 : i32 to index
      %swap3A_69 = arith.constant 0 : index
      %swap3A_70 = tpu.vector_load %arg8[%swap3A, %swap3A_69] {strides = array<i32>} : memref<128x64xf32, #tpu.memory_space<vmem>>, vector<1x16xf32>,
      %swap3A_71 = vector.shape_cast %swap3A_70 : vector<1x16xf32> to vector<16xf32>
      %swap3A_72 = vector.shape_cast %broadcast_in_dim3A_1 : vector<16xf32> to vector<1x16xf32>
      tpu.vector_store %arg8[%swap3A, %swap3A_69], %swap3A_72 {strides = array<i32>} : memref<128x64xf32, #tpu.memory_space<vmem>>, vector<1x16xf32>,
      %swap3A_73 = arith.index_cast %scan3A_67 : i32 to index
      %swap3A_74 = arith.constant 16 : index
      %swap3A_75 = tpu.vector_load %arg8[%swap3A_73, %swap3A_74] {strides = array<i32>} : memref<128x64xf32, #tpu.memory_space<vmem>>, vector<1x16xf32>,
      %swap3A_76 = vector.shape_cast %swap3A_75 : vector<1x16xf32> to vector<16xf32>
      %swap3A_77 = vector.shape_cast %broadcast_in_dim3A_1 : vector<16xf32> to vector<1x16xf32>
      tpu.vector_store %arg8[%swap3A_73, %swap3A_74], %swap3A_77 {strides = array<i32>} : memref<128x64xf32, #tpu.memory_space<vmem>>, vector<1x16xf32>,
      %swap3A_78 = arith.index_cast %scan3A_67 : i32 to index
      %swap3A_79 = arith.constant 32 : index
      %swap3A_80 = tpu.vector_load %arg8[%swap3A_78, %swap3A_79] {strides = array<i32>} : memref<128x64xf32, #tpu.memory_space<vmem>>, vector<1x16xf32>,
      %swap3A_81 = vector.shape_cast %swap3A_80 : vector<1x16xf32> to vector<16xf32>
      %swap3A_82 = vector.shape_cast %broadcast_in_dim3A_1 : vector<16xf32> to vector<1x16xf32>
      tpu.vector_store %arg8[%swap3A_78, %swap3A_79], %swap3A_82 {strides = array<i32>} : memref<128x64xf32, #tpu.memory_space<vmem>>, vector<1x16xf32>,
      %swap3A_83 = arith.index_cast %scan3A_67 : i32 to index
      %swap3A_84 = arith.constant 48 : index
      %swap3A_85 = tpu.vector_load %arg8[%swap3A_83, %swap3A_84] {strides = array<i32>} : memref<128x64xf32, #tpu.memory_space<vmem>>, vector<1x16xf32>,
      %swap3A_86 = vector.shape_cast %swap3A_85 : vector<1x16xf32> to vector<16xf32>
      %swap3A_87 = vector.shape_cast %broadcast_in_dim3A_1 : vector<16xf32> to vector<1x16xf32>
      tpu.vector_store %arg8[%swap3A_83, %swap3A_84], %swap3A_87 {strides = array<i32>} : memref<128x64xf32, #tpu.memory_space<vmem>>, vector<1x16xf32>,
      %scan3A_88 = arith.constant 0 : i32
      scf.yield %scan3A_88 : i32
    }
    %scan3A_9 = arith.constant 128 : i32
    %mul3A_10 = arith.constant 5 : i32
    %mul3A_11 = arith.muli %arg1, %mul3A_10 : i32
    %add3A_12 = arith.constant 0 : i32
    %add3A_13 = arith.addi %mul3A_11, %add3A_12 : i32
    %mul3A_14 = arith.constant 128 : i32
    %mul3A_15 = arith.muli %add3A_13, %mul3A_14 : i32
    "tpu.region"() ({
      %run_scoped3A = tpu.sem_alloc : memref<!tpu.dma_semaphore, #tpu.memory_space<semaphore_mem>>
      %dma_start3A = arith.constant 0 : i32
      %dma_start3A_67 = tpu.memref_slice %arg11[%mul3A_15, %dma_start3A] : memref<10240x64xf32, #tpu.memory_space<vmem_shared>> -> memref<128x64xf32, #tpu.memory_space<vmem_shared>>
      %dma_start3A_68 = arith.constant 0 : i32
      %dma_start3A_69 = tpu.memref_slice %arg11[%mul3A_15, %dma_start3A_68] : memref<10240x64xf32, #tpu.memory_space<vmem_shared>> -> memref<128x64xf32, #tpu.memory_space<vmem_shared>>
      tpu.enqueue_dma source(%arg8 : memref<128x64xf32, #tpu.memory_space<vmem>>) target(%dma_start3A_69 : memref<128x64xf32, #tpu.memory_space<vmem_shared>>) target_semaphore(%run_scoped3A : memref<!tpu.dma_semaphore, #tpu.memory_space<semaphore_mem>>)
      %dma_wait3A_70 = arith.constant 0 : i32
      %dma_wait3A_71 = tpu.memref_slice %arg11[%mul3A_15, %dma_wait3A_70] : memref<10240x64xf32, #tpu.memory_space<vmem_shared>> -> memref<128x64xf32, #tpu.memory_space<vmem_shared>>
      %dma_wait3A_72 = arith.constant 0 : i32
      %dma_wait3A_73 = tpu.memref_slice %arg11[%mul3A_15, %dma_wait3A_72] : memref<10240x64xf32, #tpu.memory_space<vmem_shared>> -> memref<128x64xf32, #tpu.memory_space<vmem_shared>>
      tpu.wait_dma2 semaphore(%run_scoped3A : memref<!tpu.dma_semaphore, #tpu.memory_space<semaphore_mem>>) src(%arg8 : memref<128x64xf32, #tpu.memory_space<vmem>>) dst(%dma_wait3A_73 : memref<128x64xf32, #tpu.memory_space<vmem_shared>>)
      tpu.yield
    }) : () -> ()
    %mul3A_16 = arith.constant 5 : i32
    %mul3A_17 = arith.muli %arg1, %mul3A_16 : i32
    %add3A_18 = arith.constant 1 : i32
    %add3A_19 = arith.addi %mul3A_17, %add3A_18 : i32
    %mul3A_20 = arith.constant 128 : i32
    %mul3A_21 = arith.muli %add3A_19, %mul3A_20 : i32
    "tpu.region"() ({
      %run_scoped3A = tpu.sem_alloc : memref<!tpu.dma_semaphore, #tpu.memory_space<semaphore_mem>>
      %dma_start3A = arith.constant 0 : i32
      %dma_start3A_67 = tpu.memref_slice %arg11[%mul3A_21, %dma_start3A] : memref<10240x64xf32, #tpu.memory_space<vmem_shared>> -> memref<128x64xf32, #tpu.memory_space<vmem_shared>>
      %dma_start3A_68 = arith.constant 0 : i32
      %dma_start3A_69 = tpu.memref_slice %arg11[%mul3A_21, %dma_start3A_68] : memref<10240x64xf32, #tpu.memory_space<vmem_shared>> -> memref<128x64xf32, #tpu.memory_space<vmem_shared>>
      tpu.enqueue_dma source(%arg8 : memref<128x64xf32, #tpu.memory_space<vmem>>) target(%dma_start3A_69 : memref<128x64xf32, #tpu.memory_space<vmem_shared>>) target_semaphore(%run_scoped3A : memref<!tpu.dma_semaphore, #tpu.memory_space<semaphore_mem>>)
      %dma_wait3A_70 = arith.constant 0 : i32
      %dma_wait3A_71 = tpu.memref_slice %arg11[%mul3A_21, %dma_wait3A_70] : memref<10240x64xf32, #tpu.memory_space<vmem_shared>> -> memref<128x64xf32, #tpu.memory_space<vmem_shared>>
      %dma_wait3A_72 = arith.constant 0 : i32
      %dma_wait3A_73 = tpu.memref_slice %arg11[%mul3A_21, %dma_wait3A_72] : memref<10240x64xf32, #tpu.memory_space<vmem_shared>> -> memref<128x64xf32, #tpu.memory_space<vmem_shared>>
      tpu.wait_dma2 semaphore(%run_scoped3A : memref<!tpu.dma_semaphore, #tpu.memory_space<semaphore_mem>>) src(%arg8 : memref<128x64xf32, #tpu.memory_space<vmem>>) dst(%dma_wait3A_73 : memref<128x64xf32, #tpu.memory_space<vmem_shared>>)
      tpu.yield
    }) : () -> ()
    %mul3A_22 = arith.constant 5 : i32
    %mul3A_23 = arith.muli %arg1, %mul3A_22 : i32
    %add3A_24 = arith.constant 2 : i32
    %add3A_25 = arith.addi %mul3A_23, %add3A_24 : i32
    %mul3A_26 = arith.constant 128 : i32
    %mul3A_27 = arith.muli %add3A_25, %mul3A_26 : i32
    "tpu.region"() ({
      %run_scoped3A = tpu.sem_alloc : memref<!tpu.dma_semaphore, #tpu.memory_space<semaphore_mem>>
      %dma_start3A = arith.constant 0 : i32
      %dma_start3A_67 = tpu.memref_slice %arg11[%mul3A_27, %dma_start3A] : memref<10240x64xf32, #tpu.memory_space<vmem_shared>> -> memref<128x64xf32, #tpu.memory_space<vmem_shared>>
      %dma_start3A_68 = arith.constant 0 : i32
      %dma_start3A_69 = tpu.memref_slice %arg11[%mul3A_27, %dma_start3A_68] : memref<10240x64xf32, #tpu.memory_space<vmem_shared>> -> memref<128x64xf32, #tpu.memory_space<vmem_shared>>
      tpu.enqueue_dma source(%arg8 : memref<128x64xf32, #tpu.memory_space<vmem>>) target(%dma_start3A_69 : memref<128x64xf32, #tpu.memory_space<vmem_shared>>) target_semaphore(%run_scoped3A : memref<!tpu.dma_semaphore, #tpu.memory_space<semaphore_mem>>)
      %dma_wait3A_70 = arith.constant 0 : i32
      %dma_wait3A_71 = tpu.memref_slice %arg11[%mul3A_27, %dma_wait3A_70] : memref<10240x64xf32, #tpu.memory_space<vmem_shared>> -> memref<128x64xf32, #tpu.memory_space<vmem_shared>>
      %dma_wait3A_72 = arith.constant 0 : i32
      %dma_wait3A_73 = tpu.memref_slice %arg11[%mul3A_27, %dma_wait3A_72] : memref<10240x64xf32, #tpu.memory_space<vmem_shared>> -> memref<128x64xf32, #tpu.memory_space<vmem_shared>>
      tpu.wait_dma2 semaphore(%run_scoped3A : memref<!tpu.dma_semaphore, #tpu.memory_space<semaphore_mem>>) src(%arg8 : memref<128x64xf32, #tpu.memory_space<vmem>>) dst(%dma_wait3A_73 : memref<128x64xf32, #tpu.memory_space<vmem_shared>>)
      tpu.yield
    }) : () -> ()
    %mul3A_28 = arith.constant 5 : i32
    %mul3A_29 = arith.muli %arg1, %mul3A_28 : i32
    %add3A_30 = arith.constant 3 : i32
    %add3A_31 = arith.addi %mul3A_29, %add3A_30 : i32
    %mul3A_32 = arith.constant 128 : i32
    %mul3A_33 = arith.muli %add3A_31, %mul3A_32 : i32
    "tpu.region"() ({
      %run_scoped3A = tpu.sem_alloc : memref<!tpu.dma_semaphore, #tpu.memory_space<semaphore_mem>>
      %dma_start3A = arith.constant 0 : i32
      %dma_start3A_67 = tpu.memref_slice %arg11[%mul3A_33, %dma_start3A] : memref<10240x64xf32, #tpu.memory_space<vmem_shared>> -> memref<128x64xf32, #tpu.memory_space<vmem_shared>>
      %dma_start3A_68 = arith.constant 0 : i32
      %dma_start3A_69 = tpu.memref_slice %arg11[%mul3A_33, %dma_start3A_68] : memref<10240x64xf32, #tpu.memory_space<vmem_shared>> -> memref<128x64xf32, #tpu.memory_space<vmem_shared>>
      tpu.enqueue_dma source(%arg8 : memref<128x64xf32, #tpu.memory_space<vmem>>) target(%dma_start3A_69 : memref<128x64xf32, #tpu.memory_space<vmem_shared>>) target_semaphore(%run_scoped3A : memref<!tpu.dma_semaphore, #tpu.memory_space<semaphore_mem>>)
      %dma_wait3A_70 = arith.constant 0 : i32
      %dma_wait3A_71 = tpu.memref_slice %arg11[%mul3A_33, %dma_wait3A_70] : memref<10240x64xf32, #tpu.memory_space<vmem_shared>> -> memref<128x64xf32, #tpu.memory_space<vmem_shared>>
      %dma_wait3A_72 = arith.constant 0 : i32
      %dma_wait3A_73 = tpu.memref_slice %arg11[%mul3A_33, %dma_wait3A_72] : memref<10240x64xf32, #tpu.memory_space<vmem_shared>> -> memref<128x64xf32, #tpu.memory_space<vmem_shared>>
      tpu.wait_dma2 semaphore(%run_scoped3A : memref<!tpu.dma_semaphore, #tpu.memory_space<semaphore_mem>>) src(%arg8 : memref<128x64xf32, #tpu.memory_space<vmem>>) dst(%dma_wait3A_73 : memref<128x64xf32, #tpu.memory_space<vmem_shared>>)
      tpu.yield
    }) : () -> ()
    %mul3A_34 = arith.constant 5 : i32
    %mul3A_35 = arith.muli %arg1, %mul3A_34 : i32
    %add3A_36 = arith.constant 4 : i32
    %add3A_37 = arith.addi %mul3A_35, %add3A_36 : i32
    %mul3A_38 = arith.constant 128 : i32
    %mul3A_39 = arith.muli %add3A_37, %mul3A_38 : i32
    "tpu.region"() ({
      %run_scoped3A = tpu.sem_alloc : memref<!tpu.dma_semaphore, #tpu.memory_space<semaphore_mem>>
      %dma_start3A = arith.constant 0 : i32
      %dma_start3A_67 = tpu.memref_slice %arg11[%mul3A_39, %dma_start3A] : memref<10240x64xf32, #tpu.memory_space<vmem_shared>> -> memref<128x64xf32, #tpu.memory_space<vmem_shared>>
      %dma_start3A_68 = arith.constant 0 : i32
      %dma_start3A_69 = tpu.memref_slice %arg11[%mul3A_39, %dma_start3A_68] : memref<10240x64xf32, #tpu.memory_space<vmem_shared>> -> memref<128x64xf32, #tpu.memory_space<vmem_shared>>
      tpu.enqueue_dma source(%arg8 : memref<128x64xf32, #tpu.memory_space<vmem>>) target(%dma_start3A_69 : memref<128x64xf32, #tpu.memory_space<vmem_shared>>) target_semaphore(%run_scoped3A : memref<!tpu.dma_semaphore, #tpu.memory_space<semaphore_mem>>)
      %dma_wait3A_70 = arith.constant 0 : i32
      %dma_wait3A_71 = tpu.memref_slice %arg11[%mul3A_39, %dma_wait3A_70] : memref<10240x64xf32, #tpu.memory_space<vmem_shared>> -> memref<128x64xf32, #tpu.memory_space<vmem_shared>>
      %dma_wait3A_72 = arith.constant 0 : i32
      %dma_wait3A_73 = tpu.memref_slice %arg11[%mul3A_39, %dma_wait3A_72] : memref<10240x64xf32, #tpu.memory_space<vmem_shared>> -> memref<128x64xf32, #tpu.memory_space<vmem_shared>>
      tpu.wait_dma2 semaphore(%run_scoped3A : memref<!tpu.dma_semaphore, #tpu.memory_space<semaphore_mem>>) src(%arg8 : memref<128x64xf32, #tpu.memory_space<vmem>>) dst(%dma_wait3A_73 : memref<128x64xf32, #tpu.memory_space<vmem_shared>>)
      tpu.yield
    }) : () -> ()
    "tpu.region"() ({
      %run_scoped3A = tpu.sem_alloc : memref<!tpu.dma_semaphore, #tpu.memory_space<semaphore_mem>>
      %dma_start3A = arith.constant 0 : i32
      %dma_start3A_67 = arith.constant 0 : i32
      %dma_start3A_68 = tpu.memref_slice %arg3[%add3A, %dma_start3A, %dma_start3A_67] : memref<32x80x128xi32, #tpu.memory_space<hbm>> -> memref<1x80x128xi32, #tpu.memory_space<hbm>>
      %dma_start3A_69 = tpu.memref_squeeze %dma_start3A_68 : memref<1x80x128xi32, #tpu.memory_space<hbm>> -> memref<80x128xi32, #tpu.memory_space<hbm>>
      %dma_start3A_70 = arith.constant 0 : i32
      %dma_start3A_71 = arith.constant 0 : i32
      %dma_start3A_72 = tpu.memref_slice %arg3[%add3A, %dma_start3A_70, %dma_start3A_71] : memref<32x80x128xi32, #tpu.memory_space<hbm>> -> memref<1x80x128xi32, #tpu.memory_space<hbm>>
      %dma_start3A_73 = tpu.memref_squeeze %dma_start3A_72 : memref<1x80x128xi32, #tpu.memory_space<hbm>> -> memref<80x128xi32, #tpu.memory_space<hbm>>
      tpu.enqueue_dma source(%dma_start3A_73 : memref<80x128xi32, #tpu.memory_space<hbm>>) target(%arg6 : memref<80x128xi32, #tpu.memory_space<vmem>>) target_semaphore(%run_scoped3A : memref<!tpu.dma_semaphore, #tpu.memory_space<semaphore_mem>>)
      %dma_wait3A_74 = arith.constant 0 : i32
      %dma_wait3A_75 = arith.constant 0 : i32
      %dma_wait3A_76 = tpu.memref_slice %arg3[%add3A, %dma_wait3A_74, %dma_wait3A_75] : memref<32x80x128xi32, #tpu.memory_space<hbm>> -> memref<1x80x128xi32, #tpu.memory_space<hbm>>
      %dma_wait3A_77 = tpu.memref_squeeze %dma_wait3A_76 : memref<1x80x128xi32, #tpu.memory_space<hbm>> -> memref<80x128xi32, #tpu.memory_space<hbm>>
      %dma_wait3A_78 = arith.constant 0 : i32
      %dma_wait3A_79 = arith.constant 0 : i32
      %dma_wait3A_80 = tpu.memref_slice %arg3[%add3A, %dma_wait3A_78, %dma_wait3A_79] : memref<32x80x128xi32, #tpu.memory_space<hbm>> -> memref<1x80x128xi32, #tpu.memory_space<hbm>>
      %dma_wait3A_81 = tpu.memref_squeeze %dma_wait3A_80 : memref<1x80x128xi32, #tpu.memory_space<hbm>> -> memref<80x128xi32, #tpu.memory_space<hbm>>
      tpu.wait_dma2 semaphore(%run_scoped3A : memref<!tpu.dma_semaphore, #tpu.memory_space<semaphore_mem>>) src(%dma_wait3A_81 : memref<80x128xi32, #tpu.memory_space<hbm>>) dst(%arg6 : memref<80x128xi32, #tpu.memory_space<vmem>>)
      tpu.yield
    }) : () -> ()
    "tpu.region"() ({
      %run_scoped3A = tpu.sem_alloc : memref<!tpu.dma_semaphore, #tpu.memory_space<semaphore_mem>>
      %dma_start3A = arith.constant 0 : i32
      %dma_start3A_67 = arith.constant 0 : i32
      %dma_start3A_68 = tpu.memref_slice %arg4[%add3A, %dma_start3A, %dma_start3A_67] : memref<32x80x128xi32, #tpu.memory_space<hbm>> -> memref<1x80x128xi32, #tpu.memory_space<hbm>>
      %dma_start3A_69 = tpu.memref_squeeze %dma_start3A_68 : memref<1x80x128xi32, #tpu.memory_space<hbm>> -> memref<80x128xi32, #tpu.memory_space<hbm>>
      %dma_start3A_70 = arith.constant 0 : i32
      %dma_start3A_71 = arith.constant 0 : i32
      %dma_start3A_72 = tpu.memref_slice %arg4[%add3A, %dma_start3A_70, %dma_start3A_71] : memref<32x80x128xi32, #tpu.memory_space<hbm>> -> memref<1x80x128xi32, #tpu.memory_space<hbm>>
      %dma_start3A_73 = tpu.memref_squeeze %dma_start3A_72 : memref<1x80x128xi32, #tpu.memory_space<hbm>> -> memref<80x128xi32, #tpu.memory_space<hbm>>
      tpu.enqueue_dma source(%dma_start3A_73 : memref<80x128xi32, #tpu.memory_space<hbm>>) target(%arg7 : memref<80x128xi32, #tpu.memory_space<vmem>>) target_semaphore(%run_scoped3A : memref<!tpu.dma_semaphore, #tpu.memory_space<semaphore_mem>>)
      %dma_wait3A_74 = arith.constant 0 : i32
      %dma_wait3A_75 = arith.constant 0 : i32
      %dma_wait3A_76 = tpu.memref_slice %arg4[%add3A, %dma_wait3A_74, %dma_wait3A_75] : memref<32x80x128xi32, #tpu.memory_space<hbm>> -> memref<1x80x128xi32, #tpu.memory_space<hbm>>
      %dma_wait3A_77 = tpu.memref_squeeze %dma_wait3A_76 : memref<1x80x128xi32, #tpu.memory_space<hbm>> -> memref<80x128xi32, #tpu.memory_space<hbm>>
      %dma_wait3A_78 = arith.constant 0 : i32
      %dma_wait3A_79 = arith.constant 0 : i32
      %dma_wait3A_80 = tpu.memref_slice %arg4[%add3A, %dma_wait3A_78, %dma_wait3A_79] : memref<32x80x128xi32, #tpu.memory_space<hbm>> -> memref<1x80x128xi32, #tpu.memory_space<hbm>>
      %dma_wait3A_81 = tpu.memref_squeeze %dma_wait3A_80 : memref<1x80x128xi32, #tpu.memory_space<hbm>> -> memref<80x128xi32, #tpu.memory_space<hbm>>
      tpu.wait_dma2 semaphore(%run_scoped3A : memref<!tpu.dma_semaphore, #tpu.memory_space<semaphore_mem>>) src(%dma_wait3A_81 : memref<80x128xi32, #tpu.memory_space<hbm>>) dst(%arg7 : memref<80x128xi32, #tpu.memory_space<vmem>>)
      tpu.yield
    }) : () -> ()
    %mul3A_40 = arith.constant 625 : i32
    %mul3A_41 = arith.muli %arg1, %mul3A_40 : i32
    %mul3A_42 = arith.constant 625 : i32
    %mul3A_43 = arith.muli %arg1, %mul3A_42 : i32
    "tpu.region"() ({
      %run_scoped3A = tpu.sem_alloc : memref<!tpu.dma_semaphore, #tpu.memory_space<semaphore_mem>>
      %dma_start3A = arith.constant 0 : i32
      %dma_start3A_67 = tpu.memref_slice %arg10[%mul3A_43, %dma_start3A] : memref<10000x64xf32, #tpu.memory_space<vmem_shared>> -> memref<625x64xf32, #tpu.memory_space<vmem_shared>>
      %dma_start3A_68 = arith.constant 0 : i32
      %dma_start3A_69 = tpu.memref_slice %arg2[%mul3A_41, %dma_start3A_68] : memref<10000x64xf32, #tpu.memory_space<hbm>> -> memref<625x64xf32, #tpu.memory_space<hbm>>
      tpu.enqueue_dma source(%dma_start3A_69 : memref<625x64xf32, #tpu.memory_space<hbm>>) target(%dma_start3A_67 : memref<625x64xf32, #tpu.memory_space<vmem_shared>>) target_semaphore(%run_scoped3A : memref<!tpu.dma_semaphore, #tpu.memory_space<semaphore_mem>>)
      %dma_wait3A_70 = arith.constant 0 : i32
      %dma_wait3A_71 = tpu.memref_slice %arg10[%mul3A_43, %dma_wait3A_70] : memref<10000x64xf32, #tpu.memory_space<vmem_shared>> -> memref<625x64xf32, #tpu.memory_space<vmem_shared>>
      %dma_wait3A_72 = arith.constant 0 : i32
      %dma_wait3A_73 = tpu.memref_slice %arg2[%mul3A_41, %dma_wait3A_72] : memref<10000x64xf32, #tpu.memory_space<hbm>> -> memref<625x64xf32, #tpu.memory_space<hbm>>
      tpu.wait_dma2 semaphore(%run_scoped3A : memref<!tpu.dma_semaphore, #tpu.memory_space<semaphore_mem>>) src(%dma_wait3A_73 : memref<625x64xf32, #tpu.memory_space<hbm>>) dst(%dma_wait3A_71 : memref<625x64xf32, #tpu.memory_space<vmem_shared>>)
      tpu.yield
    }) : () -> ()
    %barrier3A = arith.constant 0 : index
    tpu.barrier barrier_id(%barrier3A)
    %scan3A_44 = arith.constant 0 : i32
    %scan3A_45 = arith.constant 0 : i32
    %scan3A_46 = arith.constant 40 : i32
    %scan3A_47 = arith.addi %scan3A_45, %scan3A_46 : i32
    %scan3A_48 = arith.constant 1 : i32
    %scan3A_49 = scf.for %scan3A_67 = %scan3A_45 to %scan3A_47 step %scan3A_48 iter_args(%scan3A_68 = %scan3A_44) -> (i32)  : i32 {
      %mul3A_69 = arith.constant 2 : i32
      %mul3A_70 = arith.muli %scan3A_67, %mul3A_69 : i32
      %gt3A = arith.constant 0 : i32
      %gt3A_71 = arith.cmpi sgt, %scan3A_67, %gt3A : i32
      %convert_element_type3A = arith.extui %gt3A_71 : i1 to i32
      %cond3A = arith.constant 0 : i32
      %cond3A_72 = arith.cmpi ne, %convert_element_type3A, %cond3A : i32
      scf.if %cond3A_72 {
        %dma_wait3A_126 = arith.constant 0 : i32
        %dma_wait3A_127 = arith.constant 0 : i32
        %dma_wait3A_128 = tpu.memref_slice %arg7[%dma_wait3A_126, %dma_wait3A_127] : memref<80x128xi32, #tpu.memory_space<vmem>> -> memref<1x128xi32, #tpu.memory_space<vmem>>
        %dma_wait3A_129 = tpu.memref_squeeze %dma_wait3A_128 : memref<1x128xi32, #tpu.memory_space<vmem>> -> memref<128xi32, #tpu.memory_space<vmem>>
        %dma_wait3A_130 = arith.constant 0 : i32
        %dma_wait3A_131 = arith.constant 0 : i32
        %dma_wait3A_132 = tpu.memref_slice %arg11[%dma_wait3A_130, %dma_wait3A_131] : memref<10240x64xf32, #tpu.memory_space<vmem_shared>> -> memref<10240x64xf32, #tpu.memory_space<vmem_shared>>
        tpu.wait_indirect_dma semaphore(%arg14 : memref<!tpu.dma_semaphore, #tpu.memory_space<semaphore_mem>>) src(%arg8 : memref<128x64xf32, #tpu.memory_space<vmem>>) dst(%dma_wait3A_132 : memref<10240x64xf32, #tpu.memory_space<vmem_shared>>)
      } else {
      }
      %add3A_73 = arith.constant 0 : i32
      %add3A_74 = arith.addi %mul3A_70, %add3A_73 : i32
      %dma_start3A = arith.constant 0 : i32
      %dma_start3A_75 = tpu.memref_slice %arg6[%add3A_74, %dma_start3A] : memref<80x128xi32, #tpu.memory_space<vmem>> -> memref<1x128xi32, #tpu.memory_space<vmem>>
      %dma_start3A_76 = tpu.memref_squeeze %dma_start3A_75 : memref<1x128xi32, #tpu.memory_space<vmem>> -> memref<128xi32, #tpu.memory_space<vmem>>
      %dma_start3A_77 = arith.constant 0 : i32
      %dma_start3A_78 = arith.constant 0 : i32
      %dma_start3A_79 = tpu.memref_slice %arg10[%dma_start3A_77, %dma_start3A_78] : memref<10000x64xf32, #tpu.memory_space<vmem_shared>> -> memref<10000x64xf32, #tpu.memory_space<vmem_shared>>
      tpu.enqueue_indirect_dma source(%dma_start3A_79 : memref<10000x64xf32, #tpu.memory_space<vmem_shared>>) target(%arg8 : memref<128x64xf32, #tpu.memory_space<vmem>>) offsets(%dma_start3A_76 : memref<128xi32, #tpu.memory_space<vmem>>) semaphore(%arg12 : memref<!tpu.dma_semaphore, #tpu.memory_space<semaphore_mem>>)
      %gt3A_80 = arith.constant 0 : i32
      %gt3A_81 = arith.cmpi sgt, %scan3A_67, %gt3A_80 : i32
      %convert_element_type3A_82 = arith.extui %gt3A_81 : i1 to i32
      %cond3A_83 = arith.constant 0 : i32
      %cond3A_84 = arith.cmpi ne, %convert_element_type3A_82, %cond3A_83 : i32
      scf.if %cond3A_84 {
        %dma_wait3A_126 = arith.constant 0 : i32
        %dma_wait3A_127 = arith.constant 0 : i32
        %dma_wait3A_128 = tpu.memref_slice %arg7[%dma_wait3A_126, %dma_wait3A_127] : memref<80x128xi32, #tpu.memory_space<vmem>> -> memref<1x128xi32, #tpu.memory_space<vmem>>
        %dma_wait3A_129 = tpu.memref_squeeze %dma_wait3A_128 : memref<1x128xi32, #tpu.memory_space<vmem>> -> memref<128xi32, #tpu.memory_space<vmem>>
        %dma_wait3A_130 = arith.constant 0 : i32
        %dma_wait3A_131 = arith.constant 0 : i32
        %dma_wait3A_132 = tpu.memref_slice %arg11[%dma_wait3A_130, %dma_wait3A_131] : memref<10240x64xf32, #tpu.memory_space<vmem_shared>> -> memref<10240x64xf32, #tpu.memory_space<vmem_shared>>
        tpu.wait_indirect_dma semaphore(%arg15 : memref<!tpu.dma_semaphore, #tpu.memory_space<semaphore_mem>>) src(%arg9 : memref<128x64xf32, #tpu.memory_space<vmem>>) dst(%dma_wait3A_132 : memref<10240x64xf32, #tpu.memory_space<vmem_shared>>)
      } else {
      }
      %add3A_85 = arith.constant 1 : i32
      %add3A_86 = arith.addi %mul3A_70, %add3A_85 : i32
      %dma_start3A_87 = arith.constant 0 : i32
      %dma_start3A_88 = tpu.memref_slice %arg6[%add3A_86, %dma_start3A_87] : memref<80x128xi32, #tpu.memory_space<vmem>> -> memref<1x128xi32, #tpu.memory_space<vmem>>
      %dma_start3A_89 = tpu.memref_squeeze %dma_start3A_88 : memref<1x128xi32, #tpu.memory_space<vmem>> -> memref<128xi32, #tpu.memory_space<vmem>>
      %dma_start3A_90 = arith.constant 0 : i32
      %dma_start3A_91 = arith.constant 0 : i32
      %dma_start3A_92 = tpu.memref_slice %arg10[%dma_start3A_90, %dma_start3A_91] : memref<10000x64xf32, #tpu.memory_space<vmem_shared>> -> memref<10000x64xf32, #tpu.memory_space<vmem_shared>>
      tpu.enqueue_indirect_dma source(%dma_start3A_92 : memref<10000x64xf32, #tpu.memory_space<vmem_shared>>) target(%arg9 : memref<128x64xf32, #tpu.memory_space<vmem>>) offsets(%dma_start3A_89 : memref<128xi32, #tpu.memory_space<vmem>>) semaphore(%arg13 : memref<!tpu.dma_semaphore, #tpu.memory_space<semaphore_mem>>)
      %add3A_93 = arith.constant 0 : i32
      %add3A_94 = arith.addi %mul3A_70, %add3A_93 : i32
      %dma_wait3A_95 = arith.constant 0 : i32
      %dma_wait3A_96 = tpu.memref_slice %arg6[%add3A_94, %dma_wait3A_95] : memref<80x128xi32, #tpu.memory_space<vmem>> -> memref<1x128xi32, #tpu.memory_space<vmem>>
      %dma_wait3A_97 = tpu.memref_squeeze %dma_wait3A_96 : memref<1x128xi32, #tpu.memory_space<vmem>> -> memref<128xi32, #tpu.memory_space<vmem>>
      %dma_wait3A_98 = arith.constant 0 : i32
      %dma_wait3A_99 = arith.constant 0 : i32
      %dma_wait3A_100 = tpu.memref_slice %arg10[%dma_wait3A_98, %dma_wait3A_99] : memref<10000x64xf32, #tpu.memory_space<vmem_shared>> -> memref<10000x64xf32, #tpu.memory_space<vmem_shared>>
      tpu.wait_indirect_dma semaphore(%arg12 : memref<!tpu.dma_semaphore, #tpu.memory_space<semaphore_mem>>) src(%dma_wait3A_100 : memref<10000x64xf32, #tpu.memory_space<vmem_shared>>) dst(%arg8 : memref<128x64xf32, #tpu.memory_space<vmem>>)
      %add3A_101 = arith.constant 0 : i32
      %add3A_102 = arith.addi %mul3A_70, %add3A_101 : i32
      %dma_start3A_103 = arith.constant 0 : i32
      %dma_start3A_104 = tpu.memref_slice %arg7[%add3A_102, %dma_start3A_103] : memref<80x128xi32, #tpu.memory_space<vmem>> -> memref<1x128xi32, #tpu.memory_space<vmem>>
      %dma_start3A_105 = tpu.memref_squeeze %dma_start3A_104 : memref<1x128xi32, #tpu.memory_space<vmem>> -> memref<128xi32, #tpu.memory_space<vmem>>
      %dma_start3A_106 = arith.constant 0 : i32
      %dma_start3A_107 = arith.constant 0 : i32
      %dma_start3A_108 = tpu.memref_slice %arg11[%dma_start3A_106, %dma_start3A_107] : memref<10240x64xf32, #tpu.memory_space<vmem_shared>> -> memref<10240x64xf32, #tpu.memory_space<vmem_shared>>
      tpu.enqueue_indirect_dma source(%arg8 : memref<128x64xf32, #tpu.memory_space<vmem>>) target(%dma_start3A_108 : memref<10240x64xf32, #tpu.memory_space<vmem_shared>>) offsets(%dma_start3A_105 : memref<128xi32, #tpu.memory_space<vmem>>) semaphore(%arg14 : memref<!tpu.dma_semaphore, #tpu.memory_space<semaphore_mem>>) {add = true}
      %add3A_109 = arith.constant 1 : i32
      %add3A_110 = arith.addi %mul3A_70, %add3A_109 : i32
      %dma_wait3A_111 = arith.constant 0 : i32
      %dma_wait3A_112 = tpu.memref_slice %arg6[%add3A_110, %dma_wait3A_111] : memref<80x128xi32, #tpu.memory_space<vmem>> -> memref<1x128xi32, #tpu.memory_space<vmem>>
      %dma_wait3A_113 = tpu.memref_squeeze %dma_wait3A_112 : memref<1x128xi32, #tpu.memory_space<vmem>> -> memref<128xi32, #tpu.memory_space<vmem>>
      %dma_wait3A_114 = arith.constant 0 : i32
      %dma_wait3A_115 = arith.constant 0 : i32
      %dma_wait3A_116 = tpu.memref_slice %arg10[%dma_wait3A_114, %dma_wait3A_115] : memref<10000x64xf32, #tpu.memory_space<vmem_shared>> -> memref<10000x64xf32, #tpu.memory_space<vmem_shared>>
      tpu.wait_indirect_dma semaphore(%arg13 : memref<!tpu.dma_semaphore, #tpu.memory_space<semaphore_mem>>) src(%dma_wait3A_116 : memref<10000x64xf32, #tpu.memory_space<vmem_shared>>) dst(%arg9 : memref<128x64xf32, #tpu.memory_space<vmem>>)
      %add3A_117 = arith.constant 1 : i32
      %add3A_118 = arith.addi %mul3A_70, %add3A_117 : i32
      %dma_start3A_119 = arith.constant 0 : i32
      %dma_start3A_120 = tpu.memref_slice %arg7[%add3A_118, %dma_start3A_119] : memref<80x128xi32, #tpu.memory_space<vmem>> -> memref<1x128xi32, #tpu.memory_space<vmem>>
      %dma_start3A_121 = tpu.memref_squeeze %dma_start3A_120 : memref<1x128xi32, #tpu.memory_space<vmem>> -> memref<128xi32, #tpu.memory_space<vmem>>
      %dma_start3A_122 = arith.constant 0 : i32
      %dma_start3A_123 = arith.constant 0 : i32
      %dma_start3A_124 = tpu.memref_slice %arg11[%dma_start3A_122, %dma_start3A_123] : memref<10240x64xf32, #tpu.memory_space<vmem_shared>> -> memref<10240x64xf32, #tpu.memory_space<vmem_shared>>
      tpu.enqueue_indirect_dma source(%arg9 : memref<128x64xf32, #tpu.memory_space<vmem>>) target(%dma_start3A_124 : memref<10240x64xf32, #tpu.memory_space<vmem_shared>>) offsets(%dma_start3A_121 : memref<128xi32, #tpu.memory_space<vmem>>) semaphore(%arg15 : memref<!tpu.dma_semaphore, #tpu.memory_space<semaphore_mem>>) {add = true}
      %scan3A_125 = arith.constant 0 : i32
      scf.yield %scan3A_125 : i32
    }
    %scan3A_50 = arith.constant 40 : i32
    %dma_wait3A = arith.constant 0 : i32
    %dma_wait3A_51 = arith.constant 0 : i32
    %dma_wait3A_52 = tpu.memref_slice %arg7[%dma_wait3A, %dma_wait3A_51] : memref<80x128xi32, #tpu.memory_space<vmem>> -> memref<1x128xi32, #tpu.memory_space<vmem>>
    %dma_wait3A_53 = tpu.memref_squeeze %dma_wait3A_52 : memref<1x128xi32, #tpu.memory_space<vmem>> -> memref<128xi32, #tpu.memory_space<vmem>>
    %dma_wait3A_54 = arith.constant 0 : i32
    %dma_wait3A_55 = arith.constant 0 : i32
    %dma_wait3A_56 = tpu.memref_slice %arg11[%dma_wait3A_54, %dma_wait3A_55] : memref<10240x64xf32, #tpu.memory_space<vmem_shared>> -> memref<10240x64xf32, #tpu.memory_space<vmem_shared>>
    tpu.wait_indirect_dma semaphore(%arg14 : memref<!tpu.dma_semaphore, #tpu.memory_space<semaphore_mem>>) src(%arg8 : memref<128x64xf32, #tpu.memory_space<vmem>>) dst(%dma_wait3A_56 : memref<10240x64xf32, #tpu.memory_space<vmem_shared>>)
    %dma_wait3A_57 = arith.constant 0 : i32
    %dma_wait3A_58 = arith.constant 0 : i32
    %dma_wait3A_59 = tpu.memref_slice %arg7[%dma_wait3A_57, %dma_wait3A_58] : memref<80x128xi32, #tpu.memory_space<vmem>> -> memref<1x128xi32, #tpu.memory_space<vmem>>
    %dma_wait3A_60 = tpu.memref_squeeze %dma_wait3A_59 : memref<1x128xi32, #tpu.memory_space<vmem>> -> memref<128xi32, #tpu.memory_space<vmem>>
    %dma_wait3A_61 = arith.constant 0 : i32
    %dma_wait3A_62 = arith.constant 0 : i32
    %dma_wait3A_63 = tpu.memref_slice %arg11[%dma_wait3A_61, %dma_wait3A_62] : memref<10240x64xf32, #tpu.memory_space<vmem_shared>> -> memref<10240x64xf32, #tpu.memory_space<vmem_shared>>
    tpu.wait_indirect_dma semaphore(%arg15 : memref<!tpu.dma_semaphore, #tpu.memory_space<semaphore_mem>>) src(%arg9 : memref<128x64xf32, #tpu.memory_space<vmem>>) dst(%dma_wait3A_63 : memref<10240x64xf32, #tpu.memory_space<vmem_shared>>)
    %barrier3A_64 = arith.constant 0 : index
    tpu.barrier barrier_id(%barrier3A_64)
    %mul3A_65 = arith.constant 640 : i32
    %mul3A_66 = arith.muli %arg1, %mul3A_65 : i32
    "tpu.region"() ({
      %run_scoped3A = tpu.sem_alloc : memref<!tpu.dma_semaphore, #tpu.memory_space<semaphore_mem>>
      %dma_start3A = arith.constant 0 : i32
      %dma_start3A_67 = tpu.memref_slice %arg5[%arg0, %mul3A_66, %dma_start3A] : memref<2x10240x64xf32, #tpu.memory_space<hbm>> -> memref<1x640x64xf32, #tpu.memory_space<hbm>>
      %dma_start3A_68 = tpu.memref_squeeze %dma_start3A_67 : memref<1x640x64xf32, #tpu.memory_space<hbm>> -> memref<640x64xf32, #tpu.memory_space<hbm>>
      %dma_start3A_69 = arith.constant 0 : i32
      %dma_start3A_70 = tpu.memref_slice %arg11[%mul3A_66, %dma_start3A_69] : memref<10240x64xf32, #tpu.memory_space<vmem_shared>> -> memref<640x64xf32, #tpu.memory_space<vmem_shared>>
      tpu.enqueue_dma source(%dma_start3A_70 : memref<640x64xf32, #tpu.memory_space<vmem_shared>>) target(%dma_start3A_68 : memref<640x64xf32, #tpu.memory_space<hbm>>) target_semaphore(%run_scoped3A : memref<!tpu.dma_semaphore, #tpu.memory_space<semaphore_mem>>)
      %dma_wait3A_71 = arith.constant 0 : i32
      %dma_wait3A_72 = tpu.memref_slice %arg5[%arg0, %mul3A_66, %dma_wait3A_71] : memref<2x10240x64xf32, #tpu.memory_space<hbm>> -> memref<1x640x64xf32, #tpu.memory_space<hbm>>
      %dma_wait3A_73 = tpu.memref_squeeze %dma_wait3A_72 : memref<1x640x64xf32, #tpu.memory_space<hbm>> -> memref<640x64xf32, #tpu.memory_space<hbm>>
      %dma_wait3A_74 = arith.constant 0 : i32
      %dma_wait3A_75 = tpu.memref_slice %arg11[%mul3A_66, %dma_wait3A_74] : memref<10240x64xf32, #tpu.memory_space<vmem_shared>> -> memref<640x64xf32, #tpu.memory_space<vmem_shared>>
      tpu.wait_dma2 semaphore(%run_scoped3A : memref<!tpu.dma_semaphore, #tpu.memory_space<semaphore_mem>>) src(%dma_wait3A_75 : memref<640x64xf32, #tpu.memory_space<vmem_shared>>) dst(%dma_wait3A_73 : memref<640x64xf32, #tpu.memory_space<hbm>>)
      tpu.yield
    }) : () -> ()
    return
  }
}

module attributes {stable_mosaic.version = 14 : i64} {
  func.func @_pre_body(%arg0: i32, %arg1: memref<1000x128xf32, #tpu.memory_space<vmem>>, %arg2: memref<128x64xf32, #tpu.memory_space<vmem>>, %arg3: memref<128x64xf32, #tpu.memory_space<vmem>>, %arg4: memref<1000x64xf32, #tpu.memory_space<vmem>>, %arg5: memref<1000x64xf32, #tpu.memory_space<vmem>>) attributes {dimension_semantics = [#tpu.dimension_semantics<arbitrary>], iteration_bounds = array<i64: 10>, scalar_prefetch = 0 : i64, scratch_operands = 0 : i64, tpu.core_type = #tpu.core_type<tc>, window_params = [{transform_indices = @transform_0, window_bounds = array<i64: 1000, 128>}, {pipeline_mode = #tpu.pipeline_mode<synchronous>, transform_indices = @transform_1, window_bounds = array<i64: 128, 64>}, {pipeline_mode = #tpu.pipeline_mode<synchronous>, transform_indices = @transform_2, window_bounds = array<i64: 128, 64>}, {transform_indices = @transform_3, window_bounds = array<i64: 1000, 64>}, {transform_indices = @transform_4, window_bounds = array<i64: 1000, 64>}]} {
    %get3A = arith.constant 0 : index
    %get3A_0 = arith.constant 0 : index
    %get3A_1 = vector.load %arg1[%get3A, %get3A_0] : memref<1000x128xf32, #tpu.memory_space<vmem>>, vector<1000x128xf32>
    %get3A_2 = arith.constant 0 : index
    %get3A_3 = arith.constant 0 : index
    %get3A_4 = vector.load %arg2[%get3A_2, %get3A_3] : memref<128x64xf32, #tpu.memory_space<vmem>>, vector<128x64xf32>
    %dot_general3A = arith.constant dense<0.000000e+00> : vector<1000x64xf32>
    %dot_general3A_5 = tpu.matmul %get3A_1, %get3A_4, %dot_general3A {dimension_numbers = #tpu.dot_dimension_numbers<[1], [0], [0], [1], [0, 0, 1, 1], [], []>, transpose_lhs_hint = false} : vector<1000x128xf32>, vector<128x64xf32>, vector<1000x64xf32> -> vector<1000x64xf32>
    %swap3A = arith.constant 0 : index
    %swap3A_6 = arith.constant 0 : index
    %swap3A_7 = vector.load %arg4[%swap3A, %swap3A_6] : memref<1000x64xf32, #tpu.memory_space<vmem>>, vector<1000x64xf32>
    tpu.vector_store %arg4[%swap3A, %swap3A_6], %dot_general3A_5 {strides = array<i32>} : memref<1000x64xf32, #tpu.memory_space<vmem>>, vector<1000x64xf32>,
    %get3A_8 = arith.constant 0 : index
    %get3A_9 = arith.constant 0 : index
    %get3A_10 = vector.load %arg3[%get3A_8, %get3A_9] : memref<128x64xf32, #tpu.memory_space<vmem>>, vector<128x64xf32>
    %dot_general3A_11 = arith.constant dense<0.000000e+00> : vector<1000x64xf32>
    %dot_general3A_12 = tpu.matmul %get3A_1, %get3A_10, %dot_general3A_11 {dimension_numbers = #tpu.dot_dimension_numbers<[1], [0], [0], [1], [0, 0, 1, 1], [], []>, transpose_lhs_hint = false} : vector<1000x128xf32>, vector<128x64xf32>, vector<1000x64xf32> -> vector<1000x64xf32>
    %swap3A_13 = arith.constant 0 : index
    %swap3A_14 = arith.constant 0 : index
    %swap3A_15 = vector.load %arg5[%swap3A_13, %swap3A_14] : memref<1000x64xf32, #tpu.memory_space<vmem>>, vector<1000x64xf32>
    tpu.vector_store %arg5[%swap3A_13, %swap3A_14], %dot_general3A_12 {strides = array<i32>} : memref<1000x64xf32, #tpu.memory_space<vmem>>, vector<1000x64xf32>,
    return
  }
  func.func @transform_0(%arg0: i32) -> (i32, i32) {
    %c0_i32 = arith.constant 0 : i32
    %c0_i32_0 = arith.constant 0 : i32
    return %arg0, %c0_i32 : i32, i32
  }
  func.func @transform_1(%arg0: i32) -> (i32, i32) {
    %c0_i32 = arith.constant 0 : i32
    %c0_i32_0 = arith.constant 0 : i32
    %c0_i32_1 = arith.constant 0 : i32
    return %c0_i32, %c0_i32_0 : i32, i32
  }
  func.func @transform_2(%arg0: i32) -> (i32, i32) {
    %c0_i32 = arith.constant 0 : i32
    %c0_i32_0 = arith.constant 0 : i32
    %c0_i32_1 = arith.constant 0 : i32
    return %c0_i32, %c0_i32_0 : i32, i32
  }
  func.func @transform_3(%arg0: i32) -> (i32, i32) {
    %c0_i32 = arith.constant 0 : i32
    %c0_i32_0 = arith.constant 0 : i32
    return %arg0, %c0_i32 : i32, i32
  }
  func.func @transform_4(%arg0: i32) -> (i32, i32) {
    %c0_i32 = arith.constant 0 : i32
    %c0_i32_0 = arith.constant 0 : i32
    return %arg0, %c0_i32 : i32, i32
  }
}

module attributes {stable_mosaic.version = 14 : i64} {
  func.func @_mid_body(%arg0: i32, %arg1: memref<2x1000x64xf32, #tpu.memory_space<vmem>>, %arg2: memref<2x1000x16xf32, #tpu.memory_space<vmem>>, %arg3: memref<1000x64xf32, #tpu.memory_space<vmem>>, %arg4: memref<1x64xf32, #tpu.memory_space<vmem>>, %arg5: memref<1000x64xf32, #tpu.memory_space<vmem>>) attributes {dimension_semantics = [#tpu.dimension_semantics<arbitrary>], iteration_bounds = array<i64: 10>, scalar_prefetch = 0 : i64, scratch_operands = 0 : i64, tpu.core_type = #tpu.core_type<tc>, window_params = [{transform_indices = @transform_0, window_bounds = array<i64: 2, 1000, 64>}, {transform_indices = @transform_1, window_bounds = array<i64: 2, 1000, 16>}, {transform_indices = @transform_2, window_bounds = array<i64: 1000, 64>}, {pipeline_mode = #tpu.pipeline_mode<synchronous>, transform_indices = @transform_3, window_bounds = array<i64: 1, 64>}, {transform_indices = @transform_4, window_bounds = array<i64: 1000, 64>}]} {
    %get3A = arith.constant 0 : index
    %get3A_0 = arith.constant 0 : index
    %get3A_1 = arith.constant 0 : index
    %get3A_2 = vector.load %arg1[%get3A, %get3A_0, %get3A_1] : memref<2x1000x64xf32, #tpu.memory_space<vmem>>, vector<1x1000x64xf32>
    %get3A_3 = vector.shape_cast %get3A_2 : vector<1x1000x64xf32> to vector<1000x64xf32>
    %get3A_4 = arith.constant 1 : index
    %get3A_5 = arith.constant 0 : index
    %get3A_6 = arith.constant 0 : index
    %get3A_7 = vector.load %arg1[%get3A_4, %get3A_5, %get3A_6] : memref<2x1000x64xf32, #tpu.memory_space<vmem>>, vector<1x1000x64xf32>
    %get3A_8 = vector.shape_cast %get3A_7 : vector<1x1000x64xf32> to vector<1000x64xf32>
    %add3A = arith.addf %get3A_3, %get3A_8 : vector<1000x64xf32>
    %get3A_9 = arith.constant 0 : index
    %get3A_10 = arith.constant 0 : index
    %get3A_11 = arith.constant 0 : index
    %get3A_12 = vector.load %arg2[%get3A_9, %get3A_10, %get3A_11] : memref<2x1000x16xf32, #tpu.memory_space<vmem>>, vector<1x1000x1xf32>
    %get3A_13 = vector.shape_cast %get3A_12 : vector<1x1000x1xf32> to vector<1000x1xf32>
    %get3A_14 = arith.constant 1 : index
    %get3A_15 = arith.constant 0 : index
    %get3A_16 = arith.constant 0 : index
    %get3A_17 = vector.load %arg2[%get3A_14, %get3A_15, %get3A_16] : memref<2x1000x16xf32, #tpu.memory_space<vmem>>, vector<1x1000x1xf32>
    %get3A_18 = vector.shape_cast %get3A_17 : vector<1x1000x1xf32> to vector<1000x1xf32>
    %add3A_19 = arith.addf %get3A_13, %get3A_18 : vector<1000x1xf32>
    %max3A = arith.constant 1.000000e+00 : f32
    %max3A_20 = vector.broadcast %max3A : f32 to vector<1000x1xf32>
    %max3A_21 = arith.maximumf %add3A_19, %max3A_20 : vector<1000x1xf32>
    %div3A = vector.broadcast %max3A_21 : vector<1000x1xf32> to vector<1000x64xf32>
    %div3A_22 = arith.divf %add3A, %div3A : vector<1000x64xf32>
    %get3A_23 = arith.constant 0 : index
    %get3A_24 = arith.constant 0 : index
    %get3A_25 = vector.load %arg4[%get3A_23, %get3A_24] : memref<1x64xf32, #tpu.memory_space<vmem>>, vector<1x64xf32>
    %add3A_26 = vector.broadcast %get3A_25 : vector<1x64xf32> to vector<1000x64xf32>
    %add3A_27 = arith.addf %div3A_22, %add3A_26 : vector<1000x64xf32>
    %get3A_28 = arith.constant 0 : index
    %get3A_29 = arith.constant 0 : index
    %get3A_30 = vector.load %arg3[%get3A_28, %get3A_29] : memref<1000x64xf32, #tpu.memory_space<vmem>>, vector<1000x64xf32>
    %add3A_31 = arith.addf %add3A_27, %get3A_30 : vector<1000x64xf32>
    %max3A_32 = arith.constant 0.000000e+00 : f32
    %max3A_33 = vector.broadcast %max3A_32 : f32 to vector<1000x64xf32>
    %max3A_34 = arith.maximumf %add3A_31, %max3A_33 : vector<1000x64xf32>
    %swap3A = arith.constant 0 : index
    %swap3A_35 = arith.constant 0 : index
    %swap3A_36 = vector.load %arg5[%swap3A, %swap3A_35] : memref<1000x64xf32, #tpu.memory_space<vmem>>, vector<1000x64xf32>
    tpu.vector_store %arg5[%swap3A, %swap3A_35], %max3A_34 {strides = array<i32>} : memref<1000x64xf32, #tpu.memory_space<vmem>>, vector<1000x64xf32>,
    return
  }
  func.func @transform_0(%arg0: i32) -> (i32, i32, i32) {
    %c0_i32 = arith.constant 0 : i32
    %c0_i32_0 = arith.constant 0 : i32
    %c0_i32_1 = arith.constant 0 : i32
    return %c0_i32, %arg0, %c0_i32_0 : i32, i32, i32
  }
  func.func @transform_1(%arg0: i32) -> (i32, i32, i32) {
    %c0_i32 = arith.constant 0 : i32
    %c0_i32_0 = arith.constant 0 : i32
    %c0_i32_1 = arith.constant 0 : i32
    return %c0_i32, %arg0, %c0_i32_0 : i32, i32, i32
  }
  func.func @transform_2(%arg0: i32) -> (i32, i32) {
    %c0_i32 = arith.constant 0 : i32
    %c0_i32_0 = arith.constant 0 : i32
    return %arg0, %c0_i32 : i32, i32
  }
  func.func @transform_3(%arg0: i32) -> (i32, i32) {
    %c0_i32 = arith.constant 0 : i32
    %c0_i32_0 = arith.constant 0 : i32
    %c0_i32_1 = arith.constant 0 : i32
    return %c0_i32, %c0_i32_0 : i32, i32
  }
  func.func @transform_4(%arg0: i32) -> (i32, i32) {
    %c0_i32 = arith.constant 0 : i32
    %c0_i32_0 = arith.constant 0 : i32
    return %arg0, %c0_i32 : i32, i32
  }
}

module attributes {stable_mosaic.version = 14 : i64} {
  func.func @_post_body(%arg0: i32, %arg1: memref<2x1000x64xf32, #tpu.memory_space<vmem>>, %arg2: memref<2x1000x16xf32, #tpu.memory_space<vmem>>, %arg3: memref<1000x64xf32, #tpu.memory_space<vmem>>, %arg4: memref<64x128xf32, #tpu.memory_space<vmem>>, %arg5: memref<64x128xf32, #tpu.memory_space<vmem>>, %arg6: memref<1x128xf32, #tpu.memory_space<vmem>>, %arg7: memref<1000x128xf32, #tpu.memory_space<vmem>>) attributes {dimension_semantics = [#tpu.dimension_semantics<arbitrary>], iteration_bounds = array<i64: 10>, scalar_prefetch = 0 : i64, scratch_operands = 0 : i64, tpu.core_type = #tpu.core_type<tc>, window_params = [{transform_indices = @transform_0, window_bounds = array<i64: 2, 1000, 64>}, {transform_indices = @transform_1, window_bounds = array<i64: 2, 1000, 16>}, {transform_indices = @transform_2, window_bounds = array<i64: 1000, 64>}, {pipeline_mode = #tpu.pipeline_mode<synchronous>, transform_indices = @transform_3, window_bounds = array<i64: 64, 128>}, {pipeline_mode = #tpu.pipeline_mode<synchronous>, transform_indices = @transform_4, window_bounds = array<i64: 64, 128>}, {pipeline_mode = #tpu.pipeline_mode<synchronous>, transform_indices = @transform_5, window_bounds = array<i64: 1, 128>}, {transform_indices = @transform_6, window_bounds = array<i64: 1000, 128>}]} {
    %get3A = arith.constant 0 : index
    %get3A_0 = arith.constant 0 : index
    %get3A_1 = arith.constant 0 : index
    %get3A_2 = vector.load %arg1[%get3A, %get3A_0, %get3A_1] : memref<2x1000x64xf32, #tpu.memory_space<vmem>>, vector<1x1000x64xf32>
    %get3A_3 = vector.shape_cast %get3A_2 : vector<1x1000x64xf32> to vector<1000x64xf32>
    %get3A_4 = arith.constant 1 : index
    %get3A_5 = arith.constant 0 : index
    %get3A_6 = arith.constant 0 : index
    %get3A_7 = vector.load %arg1[%get3A_4, %get3A_5, %get3A_6] : memref<2x1000x64xf32, #tpu.memory_space<vmem>>, vector<1x1000x64xf32>
    %get3A_8 = vector.shape_cast %get3A_7 : vector<1x1000x64xf32> to vector<1000x64xf32>
    %add3A = arith.addf %get3A_3, %get3A_8 : vector<1000x64xf32>
    %get3A_9 = arith.constant 0 : index
    %get3A_10 = arith.constant 0 : index
    %get3A_11 = arith.constant 0 : index
    %get3A_12 = vector.load %arg2[%get3A_9, %get3A_10, %get3A_11] : memref<2x1000x16xf32, #tpu.memory_space<vmem>>, vector<1x1000x1xf32>
    %get3A_13 = vector.shape_cast %get3A_12 : vector<1x1000x1xf32> to vector<1000x1xf32>
    %get3A_14 = arith.constant 1 : index
    %get3A_15 = arith.constant 0 : index
    %get3A_16 = arith.constant 0 : index
    %get3A_17 = vector.load %arg2[%get3A_14, %get3A_15, %get3A_16] : memref<2x1000x16xf32, #tpu.memory_space<vmem>>, vector<1x1000x1xf32>
    %get3A_18 = vector.shape_cast %get3A_17 : vector<1x1000x1xf32> to vector<1000x1xf32>
    %add3A_19 = arith.addf %get3A_13, %get3A_18 : vector<1000x1xf32>
    %max3A = arith.constant 1.000000e+00 : f32
    %max3A_20 = vector.broadcast %max3A : f32 to vector<1000x1xf32>
    %max3A_21 = arith.maximumf %add3A_19, %max3A_20 : vector<1000x1xf32>
    %div3A = vector.broadcast %max3A_21 : vector<1000x1xf32> to vector<1000x64xf32>
    %div3A_22 = arith.divf %add3A, %div3A : vector<1000x64xf32>
    %get3A_23 = arith.constant 0 : index
    %get3A_24 = arith.constant 0 : index
    %get3A_25 = vector.load %arg3[%get3A_23, %get3A_24] : memref<1000x64xf32, #tpu.memory_space<vmem>>, vector<1000x64xf32>
    %get3A_26 = arith.constant 0 : index
    %get3A_27 = arith.constant 0 : index
    %get3A_28 = vector.load %arg4[%get3A_26, %get3A_27] : memref<64x128xf32, #tpu.memory_space<vmem>>, vector<64x128xf32>
    %dot_general3A = arith.constant dense<0.000000e+00> : vector<1000x128xf32>
    %dot_general3A_29 = tpu.matmul %div3A_22, %get3A_28, %dot_general3A {dimension_numbers = #tpu.dot_dimension_numbers<[1], [0], [0], [1], [0, 0, 1, 1], [], []>, transpose_lhs_hint = false} : vector<1000x64xf32>, vector<64x128xf32>, vector<1000x128xf32> -> vector<1000x128xf32>
    %get3A_30 = arith.constant 0 : index
    %get3A_31 = arith.constant 0 : index
    %get3A_32 = vector.load %arg5[%get3A_30, %get3A_31] : memref<64x128xf32, #tpu.memory_space<vmem>>, vector<64x128xf32>
    %dot_general3A_33 = arith.constant dense<0.000000e+00> : vector<1000x128xf32>
    %dot_general3A_34 = tpu.matmul %get3A_25, %get3A_32, %dot_general3A_33 {dimension_numbers = #tpu.dot_dimension_numbers<[1], [0], [0], [1], [0, 0, 1, 1], [], []>, transpose_lhs_hint = false} : vector<1000x64xf32>, vector<64x128xf32>, vector<1000x128xf32> -> vector<1000x128xf32>
    %add3A_35 = arith.addf %dot_general3A_29, %dot_general3A_34 : vector<1000x128xf32>
    %get3A_36 = arith.constant 0 : index
    %get3A_37 = arith.constant 0 : index
    %get3A_38 = vector.load %arg6[%get3A_36, %get3A_37] : memref<1x128xf32, #tpu.memory_space<vmem>>, vector<1x128xf32>
    %add3A_39 = vector.broadcast %get3A_38 : vector<1x128xf32> to vector<1000x128xf32>
    %add3A_40 = arith.addf %add3A_35, %add3A_39 : vector<1000x128xf32>
    %reduce_max3A = arith.constant dense<0xFF800000> : vector<1000xf32>
    %reduce_max3A_41 = vector.multi_reduction <maximumf>, %add3A_40, %reduce_max3A [1] : vector<1000x128xf32> to vector<1000xf32>
    %broadcast_in_dim3A = vector.shape_cast %reduce_max3A_41 : vector<1000xf32> to vector<1000x1xf32>
    %sub3A = vector.broadcast %broadcast_in_dim3A : vector<1000x1xf32> to vector<1000x128xf32>
    %sub3A_42 = arith.subf %add3A_40, %sub3A : vector<1000x128xf32>
    %exp3A = math.exp %sub3A_42 : vector<1000x128xf32>
    %reduce_sum3A = arith.constant dense<0.000000e+00> : vector<1000xf32>
    %reduce_sum3A_43 = vector.multi_reduction <add>, %exp3A, %reduce_sum3A [1] : vector<1000x128xf32> to vector<1000xf32>
    %broadcast_in_dim3A_44 = vector.shape_cast %reduce_sum3A_43 : vector<1000xf32> to vector<1000x1xf32>
    %log3A = math.log %broadcast_in_dim3A_44 : vector<1000x1xf32>
    %sub3A_45 = vector.broadcast %broadcast_in_dim3A : vector<1000x1xf32> to vector<1000x128xf32>
    %sub3A_46 = arith.subf %add3A_40, %sub3A_45 : vector<1000x128xf32>
    %sub3A_47 = vector.broadcast %log3A : vector<1000x1xf32> to vector<1000x128xf32>
    %sub3A_48 = arith.subf %sub3A_46, %sub3A_47 : vector<1000x128xf32>
    %swap3A = arith.constant 0 : index
    %swap3A_49 = arith.constant 0 : index
    %swap3A_50 = vector.load %arg7[%swap3A, %swap3A_49] : memref<1000x128xf32, #tpu.memory_space<vmem>>, vector<1000x128xf32>
    tpu.vector_store %arg7[%swap3A, %swap3A_49], %sub3A_48 {strides = array<i32>} : memref<1000x128xf32, #tpu.memory_space<vmem>>, vector<1000x128xf32>,
    return
  }
  func.func @transform_0(%arg0: i32) -> (i32, i32, i32) {
    %c0_i32 = arith.constant 0 : i32
    %c0_i32_0 = arith.constant 0 : i32
    %c0_i32_1 = arith.constant 0 : i32
    return %c0_i32, %arg0, %c0_i32_0 : i32, i32, i32
  }
  func.func @transform_1(%arg0: i32) -> (i32, i32, i32) {
    %c0_i32 = arith.constant 0 : i32
    %c0_i32_0 = arith.constant 0 : i32
    %c0_i32_1 = arith.constant 0 : i32
    return %c0_i32, %arg0, %c0_i32_0 : i32, i32, i32
  }
  func.func @transform_2(%arg0: i32) -> (i32, i32) {
    %c0_i32 = arith.constant 0 : i32
    %c0_i32_0 = arith.constant 0 : i32
    return %arg0, %c0_i32 : i32, i32
  }
  func.func @transform_3(%arg0: i32) -> (i32, i32) {
    %c0_i32 = arith.constant 0 : i32
    %c0_i32_0 = arith.constant 0 : i32
    %c0_i32_1 = arith.constant 0 : i32
    return %c0_i32, %c0_i32_0 : i32, i32
  }
  func.func @transform_4(%arg0: i32) -> (i32, i32) {
    %c0_i32 = arith.constant 0 : i32
    %c0_i32_0 = arith.constant 0 : i32
    %c0_i32_1 = arith.constant 0 : i32
    return %c0_i32, %c0_i32_0 : i32, i32
  }
  func.func @transform_5(%arg0: i32) -> (i32, i32) {
    %c0_i32 = arith.constant 0 : i32
    %c0_i32_0 = arith.constant 0 : i32
    %c0_i32_1 = arith.constant 0 : i32
    return %c0_i32, %c0_i32_0 : i32, i32
  }
  func.func @transform_6(%arg0: i32) -> (i32, i32) {
    %c0_i32 = arith.constant 0 : i32
    %c0_i32_0 = arith.constant 0 : i32
    return %arg0, %c0_i32 : i32, i32
  }
}

</mosaic_0001>

<sc_bundles>
// kernel: kernel.10.cloned.1.call-start
scs
__scs_entry_jumppad:
0x0: {  	(pc) =	sbr.rel $0x88, $3  }
0x1: {  	(tag) =	ssettag $0x0;
	lr =	simm.s32 $0x1  }
0x2: {  	[smem:$0x3F99] =	sst lr;
	_ =	strace $0xD0000000  }
0x3: {  	_ = 	snop  }
0x4: {  	_ = 	snop  }
0x5: {  	_ = 	snop  }
0x6: {  	_ = 	snop  }
0x7: {  	_ = 	snop  }
__scs_overlays_trampoline_lowered:
0x8: {  	[smem:$0x3FA8] =	sst s0  }
0x9: {  	[smem:$0x3FA9] =	sst s1  }
0xa: {  	[smem:$0x3FAA] =	sst s2  }
0xb: {  	[smem:$0x3FAB] =	sst s3  }
0xc: {  	[smem:$0x3FAC] =	sst s4  }
0xd: {  	[smem:$0x3FAD] =	sst s5  }
0xe: {  	[smem:$0x3FAE] =	sst s6  }
0xf: {  	[smem:$0x3FAF] =	sst s7  }
0x10: {  	[smem:$0x3FB0] =	sst s8  }
0x11: {  	[smem:$0x3FB1] =	sst s9;
	s0 =	simm.s32 @!p0 $0x0  }
0x12: {  	s1 =	sld [smem:$0x3F97];
	s0 =	simm.s32 @p0 $0x1  }
0x13: {  	[smem:$0x3FB2] =	sst s0;
	s0 =	simm.s32 @!p1 $0x0  }
0x14: {  	s2 =	sld [smem:$0x3F96];
	s0 =	simm.s32 @p1 $0x1  }
0x15: {  	[smem:$0x3FB3] =	sst s0;
	s0 =	simm.s32 @!p2 $0x0  }
0x16: {  	s3 =	sld [smem:$0x3FDB];
	s0 =	simm.s32 @p2 $0x1  }
0x17: {  	s4 =	simm.s32 $0x1BF5;
	[smem:$0x3FB5] =	sst s0  }
0x18: {  	s0 =	sld [smem:$0x3F98];
	_ =	swait.ge [sflag:s4], $0x0  }
0x19: {  	s7 =	sld [smem:$0x3F99]  }
0x1a: {  	s8 =	sadd.s32 $0xFFFFE003, lr  }
0x1b: {  	s9 =	sadd.s32 $0xFFFFFEF7, lr;
	s5 =	simm.s32 $0xFFFFFFFF;
	p2 =	slt.u32 s8, $0xFFFFF086  }
0x1c: {  	p1 =	slt.u32 s9, $0xF7A;
	s5 =	simm.s32 @!p2 $0x0  }
0x1d: {  	s5 =	simm.s32 @p1 $0x1;
	p0 =	seq.s32 s7, s2  }
0x1e: {  	s7 =	smul.u32 @!p0 $0xF7A, s2;
	p2 =	seq.s32 @!p0 s5, $0x0  }
0x1f: {  	s9 =	smul.u32 $0xF7A, s1;
	s8 =	simm.s32 @!p0 $0x1BF5;
	p2 =	por !p2, p0  }
0x20: {  	[sflag:s8] =	ssyncset.s32 @!p0 $0xFFFFF086;
	s6 =	sadd.s32 @!p0 s3, s7;
	s7 =	simm.s32 @!p0 $0x108  }
0x21: {  	s3 =	sadd.s32 s3, s9;
	s6 =	sadd.s32 @!p0 $0x88, s6;
	s7 =	simm.s32 @p2 $0x1082  }
0x22: {  	[simem:s7], [sflag:s8] =	dma.local @!p0 [hbm:s6], $0xF7A  }
0x23: {  	s9 =	sor.u32 $0xD0000000, s2;
	s6 =	simm.s32 $0x108;
	_ =	swait.ge @!p0 [sflag:s8], $0x0  }
0x24: {  	s3 =	sadd.s32 $0x88, s3;
	s6 =	simm.s32 @!p1 $0x1082;
	[sflag:s4] =	ssyncset.s32 $0xFFFFF086  }
0x25: {  	[simem:s6], [sflag:s4] =	dma.local [hbm:s3], $0xF7A  }
0x26: {  	[smem:$0x3F99] =	sst s1;
	(tag) =	ssettag s2;
	_ =	strace s9  }
0x27: {  	s1 =	sld [smem:$0x3FA9]  }
0x28: {  	s2 =	sld [smem:$0x3FAA]  }
0x29: {  	s4 =	sld [smem:$0x3FAC]  }
0x2a: {  	p0 =	seq.s32 s5, $0x0;
	s5 =	sld [smem:$0x3FAD]  }
0x2b: {  	s6 =	sld [smem:$0x3FAE]  }
0x2c: {  	s7 =	sld [smem:$0x3FAF]  }
0x2d: {  	s3 =	simm.s32 $0x108;
	s8 =	sld [smem:$0x3FB0]  }
0x2e: {  	s3 =	simm.s32 @!p0 $0x1082;
	s9 =	sld [smem:$0x3FB1]  }
0x2f: {  	lr =	sadd.s32 s0, s3;
	s0 =	sld [smem:$0x3FA8]  }
0x30: {  	s3 =	sld [smem:$0x3FAB]  }
0x31: {  	[smem:$0x3FB4] =	sst s10  }
0x32: {  	s10 =	sld [smem:$0x3FB2];
	_ =	sdelay $0x3  }
0x33: {  	p0 =	seq.s32 s10, $0x1;
	s10 =	sld [smem:$0x3FB4];
	_ =	sdelay $0x3  }
0x34: {  	[smem:$0x3FB4] =	sst s10  }
0x35: {  	s10 =	sld [smem:$0x3FB3];
	_ =	sdelay $0x3  }
0x36: {  	p1 =	seq.s32 s10, $0x1;
	s10 =	sld [smem:$0x3FB4];
	_ =	sdelay $0x3  }
0x37: {  	[smem:$0x3FB4] =	sst s10  }
0x38: {  	s10 =	sld [smem:$0x3FB5]  }
0x39: {  	_ = 	snop;
	(pc) =	sbr.ind lr, $3  }
0x3a: {  	_ = 	snop  }
0x3b: {  	_ = 	snop  }
0x3c: {  	p2 =	seq.s32 s10, $0x1;
	s10 =	sld [smem:$0x3FB4]  }
0x3d: {  	_ =	shalt  }
0x3e: {  	_ =	shalt  }
0x3f: {  	_ =	shalt  }
0x40: {  	_ =	shalt  }
0x41: {  	_ =	shalt  }
0x42: {  	_ =	shalt  }
0x43: {  	_ =	shalt  }
0x44: {  	_ =	shalt  }
0x45: {  	_ =	shalt  }
0x46: {  	_ =	shalt  }
0x47: {  	_ =	shalt  }
0x48: {  	_ =	shalt  }
0x49: {  	_ =	shalt  }
0x4a: {  	_ =	shalt  }
0x4b: {  	_ =	shalt  }
0x4c: {  	_ =	shalt  }
0x4d: {  	_ =	shalt  }
0x4e: {  	_ =	shalt  }
0x4f: {  	_ =	shalt  }
0x50: {  	_ =	shalt  }
0x51: {  	_ =	shalt  }
0x52: {  	_ =	shalt  }
0x53: {  	_ =	shalt  }
0x54: {  	_ =	shalt  }
0x55: {  	_ =	shalt  }
0x56: {  	_ =	shalt  }
0x57: {  	_ =	shalt  }
0x58: {  	_ =	shalt  }
0x59: {  	_ =	shalt  }
0x5a: {  	_ =	shalt  }
0x5b: {  	_ =	shalt  }
0x5c: {  	_ =	shalt  }
0x5d: {  	_ =	shalt  }
0x5e: {  	_ =	shalt  }
0x5f: {  	_ =	shalt  }
0x60: {  	_ =	shalt  }
0x61: {  	_ =	shalt  }
0x62: {  	_ =	shalt  }
0x63: {  	_ =	shalt  }
0x64: {  	_ =	shalt  }
0x65: {  	_ =	shalt  }
0x66: {  	_ =	shalt  }
0x67: {  	_ =	shalt  }
0x68: {  	_ =	shalt  }
0x69: {  	_ =	shalt  }
0x6a: {  	_ =	shalt  }
0x6b: {  	_ =	shalt  }
0x6c: {  	_ =	shalt  }
0x6d: {  	_ =	shalt  }
0x6e: {  	_ =	shalt  }
0x6f: {  	_ =	shalt  }
0x70: {  	_ =	shalt  }
0x71: {  	_ =	shalt  }
0x72: {  	_ =	shalt  }
0x73: {  	_ =	shalt  }
0x74: {  	_ =	shalt  }
0x75: {  	_ =	shalt  }
0x76: {  	_ =	shalt  }
0x77: {  	_ =	shalt  }
0x78: {  	_ =	shalt  }
0x79: {  	_ =	shalt  }
0x7a: {  	_ =	shalt  }
0x7b: {  	_ =	shalt  }
0x7c: {  	_ =	shalt  }
0x7d: {  	_ =	shalt  }
0x7e: {  	_ =	shalt  }
0x7f: {  	_ =	shalt  }
0x80: {  	_ =	shalt  }
0x81: {  	_ =	shalt  }
0x82: {  	_ =	shalt  }
0x83: {  	_ =	shalt  }
0x84: {  	_ =	shalt  }
0x85: {  	_ =	shalt  }
0x86: {  	_ =	shalt  }
0x87: {  	_ =	shalt  }
.Lfunc_end0:
.L_simem_size_0:
called_computation.1_lowered:
.L_overlay_start_0:
0x88: {  	s2 =	sld [smem:$0x3FD9]  }
0x89: {  	s3 =	sld [smem:$0x3FFE];
	_ =	sdelay $0x1  }
0x8a: {  	s1 =	srdreg.scid  }
0x8b: {  	s0 =	sand.u32 $0x1, s1  }
0x8c: {  	s17 =	sshll.u32 s0, $0xA;
	s2 =	sadd.s32 s3, s2  }
0x8d: {  	s2 =	sadd.s32 s2, s17  }
0x8e: {  	[smem:$0x3FC0] =	sst s2  }
0x8f: {  	_ = 	snop  }
0x90: {  	s2 =	sld [smem:$0x3FD0];
	(tm) =	ssettm $0x1  }
0x91: {  	s18 =	sld [smem:$0x3FFB];
	_ =	sdelay $0x3  }
0x92: {  	_ =	strace s18  }
0x93: {  	s3 =	sld [smem:$0x3FFC];
	_ =	sdelay $0x3  }
0x94: {  	_ =	strace s3  }
0x95: {  	s3 =	sld [smem:$0x3FFD];
	_ =	sdelay $0x3  }
0x96: {  	_ =	strace s3  }
0x97: {  	_ =	strace $0x8FFFFFFF  }
0x98: {  	s19 =	sld [smem:$0x3FDB];
	_ =	sdelay $0x1  }
0x99: {  	s4 =	simm.s32 $_scs_section_size  }
0x9a: {  	s5 =	simm.s32 $_size__tile_overlayer_lowered;
	s6 =	simm.s32 $_tile_overlayer_lowered  }
0x9b: {  	s22 =	simm.s32 $0x1BFF;
	s21 =	sshll.u32 s6, $0x1;
	s3 =	sadd.s32 s4, s19  }
0x9c: {  	s7 =	simm.s32 $0x0;
	s20 =	sshll.u32 s5, $0x1;
	s5 =	sadd.s32 s21, s3  }
0x9d: {  	[timem:s7], [sflag:s22] =	dma.local [hbm:s5], s20  }
0x9e: {  	_ =	swait.ge [sflag:s22], s20  }
0x9f: {  	s4 =	ssub.s32 $0x0, s20;
	[sflag:s22] =	ssyncset.done $0x0  }
0xa0: {  	[sflag:s22] =	ssyncadd.s32 s4;
	_ =	sdelay $0x1  }
0xa1: {  	s23 =	simm.s32 $0x1B8B  }
0xa2: {  	_ =	swait.ge [sflag:s23], $0x1  }
0xa3: {  	[sflag:s23] =	ssyncset.done $0x0  }
0xa4: {  	s25 =	simm.s32 $0x1B8E;
	s24 =	sld [smem:$0x3FFE];
	[sflag:s23] =	ssyncadd.s32 $0xFFFFFFFF  }
0xa5: {  	s26 =	simm.s32 $execute0_lowered;
	[smem:$0x3FD2] =	sst s25  }
0xa6: {  	s5 =	sshll.u32 s26, $0x1;
	_ =	strace $0x80000049;
	[dreg:$0x1] =	wrdreg $0xFFFFFFFF  }
0xa7: {  	s28 =	simm.s32 $_size_execute0_lowered;
	s3 =	sadd.s32 s3, s5;
	[dreg:$0x0] =	wrdreg $0x0  }
0xa8: {  	s5 =	sshll.u32 s28, $0x1;
	[dreg:$0x2] =	wrdreg s3  }
0xa9: {  	[dreg:$0x3] =	wrdreg s5  }
0xaa: {  	[dreg:$0x4] =	wrdreg $0xC0  }
0xab: {  	_ =	task [dreg:s7], $0x5FFFF  }
0xac: {  	[dreg:$0x1] =	wrdreg $0xFFFFFFFF  }
0xad: {  	[dreg:$0x0] =	wrdreg $0x60  }
0xae: {  	[dreg:$0x2] =	wrdreg s2  }
0xaf: {  	[dreg:$0x3] =	wrdreg s24  }
0xb0: {  	[dreg:$0x4] =	wrdreg $0x12C400  }
0xb1: {  	[dreg:$0x5] =	wrdreg $0x90000  }
0xb2: {  	[dreg:$0x6] =	wrdreg $0x9  }
0xb3: {  	_ =	task.clear_ibuf [dreg:s7], $0x7FFFF;
	_ =	strace $0x90000049  }
0xb4: {  	s29 =	simm.s32 $0x9;
	_ =	strace $0x8000004B  }
0xb5: {  	_ =	swait.ge [sflag:s29], $0x1  }
0xb6: {  	[sflag:s29] =	ssyncadd.s32 $0xFFFFFFFF  }
0xb7: {  	_ =	strace $0x9000004B  }
0xb8: {  	_ =	sfence  }
0xb9: {  	s30 =	sld [smem:$0x0];
	_ =	sdelay $0x2  }
0xba: {  	s31 =	sshll.u32 s1, $0xD;
	s1 =	sshrl.u32 s1, $0x2  }
0xbb: {  	s3 =	sand.u32 $0x4000, s31;
	s1 =	sadd.s32 s1, s30  }
0xbc: {  	s0 =	sor.u32 s3, s0;
	s1 =	sshll.u32 s1, $0x11  }
0xbd: {  	s0 =	sor.u32 s1, s0  }
0xbe: {  	s0 =	sadd.s32 $0x8F2B, s0  }
0xbf: {  	[sflag:s0] =	ssyncadd.remote.s32 $0x1  }
0xc0: {  	_ =	sfence.sel $0xFFFF  }
0xc1: {  	[dreg:$0x0] =	wrdreg $0xFFFFFFFF;
	(pc) =	sbr.abs _section_cstart, $3  }
0xc2: {  	[dreg:$0x1] =	wrdreg $0xFFFFFFFF  }
0xc3: {  	_ =	task.clear_ibuf [dreg:s7], $0x2FFFF;
	_ =	strace $0x9FFFFFFF  }
0xc4: {  	(tm) =	ssettm $0x7FFFFFFF  }
0xc5: {  	_ =	shalt  }
tec
execute0_lowered:
.L_overlay_start_1:
0x0: {  	(tag) =	ssettag $0x1  }
0x1: {  	s12 =	rddreg [dreg:$0x0]  }
0x2: {  	s5 =	rddreg [dreg:$0x1]  }
0x3: {  	s2 =	rddreg [dreg:$0x2];
	s0 =	srdreg.scid  }
0x4: {  	s3 =	rddreg [dreg:$0x3];
	s1 =	stileid.u32  }
0x5: {  	s4 =	simm.s32 $0x0;
	s16 =	simm.s32 $0x5;
	s17 =	simm.s32 $0x2800  }
0x6: {  	s19 =	simm.s32 $0x80;
	s20 =	simm.s32 $0x7000;
	s21 =	simm.s32 $0x1  }
0x7: {  	s22 =	simm.s32 $0x2;
	s23 =	simm.s32 $0x2880;
	s24 =	simm.s32 $0x3  }
0x8: {  	s25 =	simm.s32 $0x4;
	s26 =	simm.s32 $0x0;
	s8 =	smul.u32 $0xA000, s1  }
0x9: {  	s6 =	sand.u32 $0x1, s0;
	s0 =	rddreg [dreg:$0x4];
	s10 =	smul.u32 $0x28000, s1  }
0xa: {  	[smem:$0x7FF] =	sst s4;
	s15 =	smul.u32 $0x9C40, s1;
	s7 =	sshll.u32 s6, $0x4  }
0xb: {  	s9 =	smul.u32 $0xA0000, s6;
	_ =	strace $0x8000004A;
	s6 =	ssub.s32 $0x2, s6  }
0xc: {  	s7 =	sor.u32 s1, s7;
	s29 =	sshrl.u32 s6, $0x1;
	s30 =	sshrl.u32 s10, $0x2  }
0xd: {  	s18 =	sadd.s32 s15, s3;
	s15 =	sshrl.u32 s15, $0x3;
	s7 =	smul.u32 $0x500, s7  }
0xe: {  	s9 =	sadd.s32 s8, s9;
	s14 =	ssub.s32 s6, s29;
	s31 =	sadd.s32 s30, s2  }
0xf: {  	s12 =	sadd.s32 s12, s15;
	s15 =	simm.s32 $0x5000;
	s18 =	sshrl.u32 s18, $0x3  }
0x10: {  	s28 =	sshrl.u32 s9, $0x3;
	s6 =	sadd.s32 $0x2000, s31;
	s9 =	sadd.s32 $0x8000, s31  }
0x11: {  	s14 =	smax.u32 s14, $0x1;
	s11 =	sadd.s32 s7, s5;
	s13 =	sadd.s32 s28, s5  }
0x12: {  	s5 =	sadd.s32 s8, s2;
	s7 =	sadd.s32 $0x4000, s31;
	s8 =	sadd.s32 $0x6000, s31  }
0x13: {  	v0 =	vimm.f32 $0.0e+00;
	s10 =	sadd.s32 $0x1400, s11;
	s11 =	sadd.s32 $0xB400, s11;
	s13 =	sadd.s32 $0x65400, s13  }
.LBB2_1:
0x14: {  	s29 =	simm.s32 $0x100;
	s28 =	simm.s32 $0x0  }
.LBB2_2:
0x15: {  	p0 =	sne.s32 s29, $0x7F00;
	[tilespmem:s28+$0x5030] =	vst v0;
	s30 =	smov.u32 s29;
	s29 =	sadd.s32 $0x100, s29  }
.Ltmp0:
0x16: {  	[tilespmem:s28+$0x5020] =	vst v0;
	(pc) =	sbr.rel @p0 .LBB2_2-.Ltmp0, $3  }
0x17: {  	[tilespmem:s28+$0x5000] =	vst v0  }
0x18: {  	[tilespmem:s28+$0x5010] =	vst v0;
	_ =	sdelay $0x1  }
0x19: {  	s28 =	sshra.s32 s30, $0x2  }
0x1a: {  	[tilespmem:s28+$0x5030] =	vst v0  }
0x1b: {  	[tilespmem:s28+$0x5020] =	vst v0  }
0x1c: {  	[tilespmem:s28+$0x5000] =	vst v0  }
0x1d: {  	[tilespmem:s28+$0x5010] =	vst v0  }
0x1e: {  	[spmem:s5] =	stream.linear.scatter [tilespmem:s15], [sflag:$0x5], $0x2000, $0x38;
	[tilespmem:$0x1CC40] =	vst v63  }
0x1f: {  	_ =	swait.ge [sflag:s16], $0x2000  }
0x20: {  	[sflag:s16] =	ssyncset.done $0x0  }
0x21: {  	[sflag:s16] =	ssyncadd.s32 $0xFFFFE000  }
0x22: {  	[spmem:s6] =	stream.linear.scatter [tilespmem:s15], [sflag:$0x5], $0x2000, $0x38;
	[tilespmem:$0x1CC40] =	vst v63  }
0x23: {  	_ =	swait.ge [sflag:s16], $0x2000  }
0x24: {  	[sflag:s16] =	ssyncset.done $0x0  }
0x25: {  	[sflag:s16] =	ssyncadd.s32 $0xFFFFE000  }
0x26: {  	[spmem:s7] =	stream.linear.scatter [tilespmem:s15], [sflag:$0x5], $0x2000, $0x38;
	[tilespmem:$0x1CC40] =	vst v63  }
0x27: {  	_ =	swait.ge [sflag:s16], $0x2000  }
0x28: {  	[sflag:s16] =	ssyncset.done $0x0  }
0x29: {  	[sflag:s16] =	ssyncadd.s32 $0xFFFFE000  }
0x2a: {  	[spmem:s8] =	stream.linear.scatter [tilespmem:s15], [sflag:$0x5], $0x2000, $0x38;
	[tilespmem:$0x1CC40] =	vst v63  }
0x2b: {  	_ =	swait.ge [sflag:s16], $0x2000  }
0x2c: {  	[sflag:s16] =	ssyncset.done $0x0  }
0x2d: {  	[sflag:s16] =	ssyncadd.s32 $0xFFFFE000  }
0x2e: {  	[spmem:s9] =	stream.linear.scatter [tilespmem:s15], [sflag:$0x5], $0x2000, $0x38;
	[tilespmem:$0x1CC40] =	vst v63  }
0x2f: {  	_ =	swait.ge [sflag:s16], $0x2000  }
0x30: {  	[sflag:s16] =	ssyncset.done $0x0  }
0x31: {  	[sflag:s16] =	ssyncadd.s32 $0xFFFFE000  }
0x32: {  	[tilespmem:s4], [sflag:$0x5] =	stream.linear.gather [hbm4b:s10+s4], $0x2800, $0x38;
	[tilespmem:$0x1CC40] =	vst v63  }
0x33: {  	_ =	swait.ge [sflag:s16], $0x2800  }
0x34: {  	[sflag:s16] =	ssyncset.done $0x0  }
0x35: {  	[sflag:s16] =	ssyncadd.s32 $0xFFFFD800  }
0x36: {  	[tilespmem:s17], [sflag:$0x5] =	stream.linear.gather [hbm4b:s11+s4], $0x2800, $0x38;
	[tilespmem:$0x1CC40] =	vst v63  }
0x37: {  	_ =	swait.ge [sflag:s16], $0x2800  }
0x38: {  	s28 =	sshll.u32 s1, $0x6;
	[sflag:s16] =	ssyncset.done $0x0  }
0x39: {  	s28 =	sor.u32 $0x1C05, s28;
	[sflag:s16] =	ssyncadd.s32 $0xFFFFD800  }
0x3a: {  	[spmem:s18], [sflag:s28] =	dma.local [hbm:s12], $0x1388  }
0x3b: {  	_ =	swait.ge [sflag:s16], $0x1388  }
0x3c: {  	[sflag:s16] =	ssyncset.done $0x0  }
0x3d: {  	[sflag:s16] =	ssyncadd.s32 $0xFFFFEC78  }
0x3e: {  	[bflag:$0x0] =	sbarrier.arrive $0xFFFF  }
0x3f: {  	[tilespmem:s15], [sflag:$0x1] =	stream.indirect.gather [spmem:s3], $0x40, s4, s19, $0xb8;
	[tilespmem:$0x1CC40] =	vst v63  }
0x40: {  	_ = 	snop  }
0x41: {  	[tilespmem:s20], [sflag:$0x2] =	stream.indirect.gather [spmem:s3], $0x40, s19, s19, $0xb8;
	[tilespmem:$0x1CC40] =	vst v63  }
0x42: {  	_ =	swait.ge [sflag:s21], $0x2000  }
0x43: {  	[sflag:s21] =	ssyncset.done $0x0  }
0x44: {  	[sflag:s21] =	ssyncadd.s32 $0xFFFFE000  }
0x45: {  	[spmem:s2] =	stream.indirect.scatter.add.f32 [tilespmem:s15], [sflag:$0x3], $0x40, s17, s19, $0xb8;
	[tilespmem:$0x1CC40] =	vst v63  }
0x46: {  	_ =	swait.ge [sflag:s22], $0x2000  }
0x47: {  	[sflag:s22] =	ssyncset.done $0x0  }
0x48: {  	[sflag:s22] =	ssyncadd.s32 $0xFFFFE000  }
0x49: {  	[spmem:s2] =	stream.indirect.scatter.add.f32 [tilespmem:s20], [sflag:$0x4], $0x40, s23, s19, $0xb8;
	[tilespmem:$0x1CC40] =	vst v63  }
0x4a: {  	_ =	swait.ge [sflag:s24], $0x2000  }
0x4b: {  	[sflag:s24] =	ssyncset.done $0x0  }
0x4c: {  	s29 =	simm.s32 $0x100;
	[sflag:s24] =	ssyncadd.s32 $0xFFFFE000  }
0x4d: {  	[tilespmem:s15], [sflag:$0x1] =	stream.indirect.gather [spmem:s3], $0x40, s29, s19, $0xb8;
	[tilespmem:$0x1CC40] =	vst v63  }
0x4e: {  	_ =	swait.ge [sflag:s25], $0x2000  }
0x4f: {  	[sflag:s25] =	ssyncset.done $0x0  }
0x50: {  	s29 =	simm.s32 $0x180;
	[sflag:s25] =	ssyncadd.s32 $0xFFFFE000  }
0x51: {  	[tilespmem:s20], [sflag:$0x2] =	stream.indirect.gather [spmem:s3], $0x40, s29, s19, $0xb8;
	[tilespmem:$0x1CC40] =	vst v63  }
0x52: {  	_ =	swait.ge [sflag:s21], $0x2000  }
0x53: {  	[sflag:s21] =	ssyncset.done $0x0  }
0x54: {  	s29 =	simm.s32 $0x2900;
	[sflag:s21] =	ssyncadd.s32 $0xFFFFE000  }
0x55: {  	[spmem:s2] =	stream.indirect.scatter.add.f32 [tilespmem:s15], [sflag:$0x3], $0x40, s29, s19, $0xb8;
	[tilespmem:$0x1CC40] =	vst v63  }
0x56: {  	_ =	swait.ge [sflag:s22], $0x2000  }
0x57: {  	[sflag:s22] =	ssyncset.done $0x0  }
0x58: {  	s30 =	simm.s32 $0x2980;
	s29 =	simm.s32 $0xFFFF6800;
	[sflag:s22] =	ssyncadd.s32 $0xFFFFE000  }
.LBB2_4:
0x59: {  	[spmem:s2] =	stream.indirect.scatter.add.f32 [tilespmem:s20], [sflag:$0x4], $0x40, s30, s19, $0xb8;
	[tilespmem:$0x1CC40] =	vst v63  }
0x5a: {  	s30 =	smov.u32 s29  }
0x5b: {  	p0 =	sne.s32 s29, $0xFFFFFC00;
	s29 =	sadd.s32 $0x400, s29;
	_ =	swait.ge [sflag:s24], $0x2000  }
0x5c: {  	s30 =	sshra.s32 s30, $0x2;
	[sflag:s24] =	ssyncset.done $0x0  }
0x5d: {  	s31 =	sadd.s32 $0x2800, s30;
	[sflag:s24] =	ssyncadd.s32 $0xFFFFE000  }
0x5e: {  	[tilespmem:s15], [sflag:$0x1] =	stream.indirect.gather [spmem:s3], $0x40, s31, s19, $0xb8;
	[tilespmem:$0x1CC40] =	vst v63  }
0x5f: {  	_ =	swait.ge [sflag:s25], $0x2000  }
0x60: {  	[sflag:s25] =	ssyncset.done $0x0  }
0x61: {  	s31 =	sadd.s32 $0x2880, s30;
	[sflag:s25] =	ssyncadd.s32 $0xFFFFE000  }
0x62: {  	[tilespmem:s20], [sflag:$0x2] =	stream.indirect.gather [spmem:s3], $0x40, s31, s19, $0xb8;
	[tilespmem:$0x1CC40] =	vst v63  }
0x63: {  	_ =	swait.ge [sflag:s21], $0x2000  }
0x64: {  	[sflag:s21] =	ssyncset.done $0x0  }
.Ltmp1:
0x65: {  	s31 =	sadd.s32 $0x5000, s30;
	[sflag:s21] =	ssyncadd.s32 $0xFFFFE000;
	(pc) =	sbr.rel @p0 .LBB2_4-.Ltmp1, $4  }
0x66: {  	[spmem:s2] =	stream.indirect.scatter.add.f32 [tilespmem:s15], [sflag:$0x3], $0x40, s31, s19, $0xb8;
	[tilespmem:$0x1CC40] =	vst v63  }
0x67: {  	_ =	swait.ge [sflag:s22], $0x2000  }
0x68: {  	[sflag:s22] =	ssyncset.done $0x0  }
0x69: {  	s30 =	sadd.s32 $0x5080, s30;
	[sflag:s22] =	ssyncadd.s32 $0xFFFFE000  }
0x6a: {  	[spmem:s2] =	stream.indirect.scatter.add.f32 [tilespmem:s20], [sflag:$0x4], $0x40, s30, s19, $0xb8;
	[tilespmem:$0x1CC40] =	vst v63  }
0x6b: {  	_ =	swait.ge [sflag:s24], $0x2000  }
0x6c: {  	[sflag:s24] =	ssyncset.done $0x0  }
0x6d: {  	[sflag:s24] =	ssyncadd.s32 $0xFFFFE000  }
0x6e: {  	_ =	swait.ge [sflag:s25], $0x2000  }
0x6f: {  	s26 =	sadd.s32 $0x1, s26;
	[sflag:s25] =	ssyncset.done $0x0  }
0x70: {  	p0 =	sne.s32 s26, s14;
	[sflag:s25] =	ssyncadd.s32 $0xFFFFE000  }
.Ltmp2:
0x71: {  	s29 =	sshrl.u32 s5, $0x3;
	[bflag:$0x0] =	sbarrier.arrive $0xFFFF;
	(pc) =	sbr.rel @p0 .LBB2_1-.Ltmp2, $4  }
0x72: {  	[hbm:s13], [sflag:s28] =	dma.local [spmem:s29], $0x1400  }
0x73: {  	_ =	swait.ge [sflag:s16], $0x1400  }
0x74: {  	[sflag:s16] =	ssyncset.done $0x0  }
0x75: {  	[sflag:s16] =	ssyncadd.s32 $0xFFFFEC00  }
0x76: {  	_ =	sfence.sel $0x180000  }
0x77: {  	[bflag:$0x0] =	sbarrier.arrive $0xFFFF  }
0x78: {  	p0 =	sne.s32 s1, $0x0;
	_ =	strace $0x9000004A  }
0x79: {  	s0 =	sadd.s32 @!p0 $0x100000, s0;
	[bflag:$0x2] =	sbarrier.arrive $0xFFFF  }
0x7a: {  	[sflag:s0] =	ssyncadd.tile.s32 @!p0 $0x1;
	_ =	shalt  }
.Lfunc_end2:
_tile_overlayer_lowered:
.L_overlay_start_2:
0x7b: {  	(tag) =	ssettag $0x2  }
0x7c: {  	s0 =	rddreg [dreg:$0x0];
	s2 =	stileid.u32  }
0x7d: {  	s1 =	rddreg [dreg:$0x1];
	p0 =	sne.s32 s2, $0x0  }
0x7e: {  	s3 =	rddreg [dreg:$0x2];
	[bflag:$0x3] =	sbarrier.arrive $0xFFFF;
	s2 =	simm.s32 @!p0 $0x1C05  }
0x7f: {  	[timem:s3], [sflag:s2] =	dma.local @!p0 [hbm:s0], s1  }
0x80: {  	s0 =	simm.s32 @!p0 $0x5  }
0x81: {  	_ =	swait.ge @!p0 [sflag:s0], s1  }
0x82: {  	s1 =	ssub.s32 @!p0 $0x0, s1;
	[sflag:s0] =	ssyncset.done @!p0 $0x0  }
0x83: {  	[sflag:s0] =	ssyncadd.s32 @!p0 s1  }
0x84: {  	[bflag:$0x3] =	sbarrier.arrive $0xFFFF  }
0x85: {  	_ =	shalt  }

// kernel: kernel.7.cloned.1.call-start
scs
__scs_entry_jumppad:
0x0: {  	(pc) =	sbr.rel $0x88, $3  }
0x1: {  	(tag) =	ssettag $0x0;
	lr =	simm.s32 $0x1  }
0x2: {  	[smem:$0x3F99] =	sst lr;
	_ =	strace $0xD0000000  }
0x3: {  	_ = 	snop  }
0x4: {  	_ = 	snop  }
0x5: {  	_ = 	snop  }
0x6: {  	_ = 	snop  }
0x7: {  	_ = 	snop  }
__scs_overlays_trampoline_lowered:
0x8: {  	[smem:$0x3FA8] =	sst s0  }
0x9: {  	[smem:$0x3FA9] =	sst s1  }
0xa: {  	[smem:$0x3FAA] =	sst s2  }
0xb: {  	[smem:$0x3FAB] =	sst s3  }
0xc: {  	[smem:$0x3FAC] =	sst s4  }
0xd: {  	[smem:$0x3FAD] =	sst s5  }
0xe: {  	[smem:$0x3FAE] =	sst s6  }
0xf: {  	[smem:$0x3FAF] =	sst s7  }
0x10: {  	[smem:$0x3FB0] =	sst s8  }
0x11: {  	[smem:$0x3FB1] =	sst s9;
	s0 =	simm.s32 @!p0 $0x0  }
0x12: {  	s1 =	sld [smem:$0x3F97];
	s0 =	simm.s32 @p0 $0x1  }
0x13: {  	[smem:$0x3FB2] =	sst s0;
	s0 =	simm.s32 @!p1 $0x0  }
0x14: {  	s2 =	sld [smem:$0x3F96];
	s0 =	simm.s32 @p1 $0x1  }
0x15: {  	[smem:$0x3FB3] =	sst s0;
	s0 =	simm.s32 @!p2 $0x0  }
0x16: {  	s3 =	sld [smem:$0x3FDB];
	s0 =	simm.s32 @p2 $0x1  }
0x17: {  	s4 =	simm.s32 $0x1BF5;
	[smem:$0x3FB5] =	sst s0  }
0x18: {  	s0 =	sld [smem:$0x3F98];
	_ =	swait.ge [sflag:s4], $0x0  }
0x19: {  	s7 =	sld [smem:$0x3F99]  }
0x1a: {  	s8 =	sadd.s32 $0xFFFFE003, lr  }
0x1b: {  	s9 =	sadd.s32 $0xFFFFFEF7, lr;
	s5 =	simm.s32 $0xFFFFFFFF;
	p2 =	slt.u32 s8, $0xFFFFF086  }
0x1c: {  	p1 =	slt.u32 s9, $0xF7A;
	s5 =	simm.s32 @!p2 $0x0  }
0x1d: {  	s5 =	simm.s32 @p1 $0x1;
	p0 =	seq.s32 s7, s2  }
0x1e: {  	s7 =	smul.u32 @!p0 $0xF7A, s2;
	p2 =	seq.s32 @!p0 s5, $0x0  }
0x1f: {  	s9 =	smul.u32 $0xF7A, s1;
	s8 =	simm.s32 @!p0 $0x1BF5;
	p2 =	por !p2, p0  }
0x20: {  	[sflag:s8] =	ssyncset.s32 @!p0 $0xFFFFF086;
	s6 =	sadd.s32 @!p0 s3, s7;
	s7 =	simm.s32 @!p0 $0x108  }
0x21: {  	s3 =	sadd.s32 s3, s9;
	s6 =	sadd.s32 @!p0 $0x88, s6;
	s7 =	simm.s32 @p2 $0x1082  }
0x22: {  	[simem:s7], [sflag:s8] =	dma.local @!p0 [hbm:s6], $0xF7A  }
0x23: {  	s9 =	sor.u32 $0xD0000000, s2;
	s6 =	simm.s32 $0x108;
	_ =	swait.ge @!p0 [sflag:s8], $0x0  }
0x24: {  	s3 =	sadd.s32 $0x88, s3;
	s6 =	simm.s32 @!p1 $0x1082;
	[sflag:s4] =	ssyncset.s32 $0xFFFFF086  }
0x25: {  	[simem:s6], [sflag:s4] =	dma.local [hbm:s3], $0xF7A  }
0x26: {  	[smem:$0x3F99] =	sst s1;
	(tag) =	ssettag s2;
	_ =	strace s9  }
0x27: {  	s1 =	sld [smem:$0x3FA9]  }
0x28: {  	s2 =	sld [smem:$0x3FAA]  }
0x29: {  	s4 =	sld [smem:$0x3FAC]  }
0x2a: {  	p0 =	seq.s32 s5, $0x0;
	s5 =	sld [smem:$0x3FAD]  }
0x2b: {  	s6 =	sld [smem:$0x3FAE]  }
0x2c: {  	s7 =	sld [smem:$0x3FAF]  }
0x2d: {  	s3 =	simm.s32 $0x108;
	s8 =	sld [smem:$0x3FB0]  }
0x2e: {  	s3 =	simm.s32 @!p0 $0x1082;
	s9 =	sld [smem:$0x3FB1]  }
0x2f: {  	lr =	sadd.s32 s0, s3;
	s0 =	sld [smem:$0x3FA8]  }
0x30: {  	s3 =	sld [smem:$0x3FAB]  }
0x31: {  	[smem:$0x3FB4] =	sst s10  }
0x32: {  	s10 =	sld [smem:$0x3FB2];
	_ =	sdelay $0x3  }
0x33: {  	p0 =	seq.s32 s10, $0x1;
	s10 =	sld [smem:$0x3FB4];
	_ =	sdelay $0x3  }
0x34: {  	[smem:$0x3FB4] =	sst s10  }
0x35: {  	s10 =	sld [smem:$0x3FB3];
	_ =	sdelay $0x3  }
0x36: {  	p1 =	seq.s32 s10, $0x1;
	s10 =	sld [smem:$0x3FB4];
	_ =	sdelay $0x3  }
0x37: {  	[smem:$0x3FB4] =	sst s10  }
0x38: {  	s10 =	sld [smem:$0x3FB5]  }
0x39: {  	_ = 	snop;
	(pc) =	sbr.ind lr, $3  }
0x3a: {  	_ = 	snop  }
0x3b: {  	_ = 	snop  }
0x3c: {  	p2 =	seq.s32 s10, $0x1;
	s10 =	sld [smem:$0x3FB4]  }
0x3d: {  	_ =	shalt  }
0x3e: {  	_ =	shalt  }
0x3f: {  	_ =	shalt  }
0x40: {  	_ =	shalt  }
0x41: {  	_ =	shalt  }
0x42: {  	_ =	shalt  }
0x43: {  	_ =	shalt  }
0x44: {  	_ =	shalt  }
0x45: {  	_ =	shalt  }
0x46: {  	_ =	shalt  }
0x47: {  	_ =	shalt  }
0x48: {  	_ =	shalt  }
0x49: {  	_ =	shalt  }
0x4a: {  	_ =	shalt  }
0x4b: {  	_ =	shalt  }
0x4c: {  	_ =	shalt  }
0x4d: {  	_ =	shalt  }
0x4e: {  	_ =	shalt  }
0x4f: {  	_ =	shalt  }
0x50: {  	_ =	shalt  }
0x51: {  	_ =	shalt  }
0x52: {  	_ =	shalt  }
0x53: {  	_ =	shalt  }
0x54: {  	_ =	shalt  }
0x55: {  	_ =	shalt  }
0x56: {  	_ =	shalt  }
0x57: {  	_ =	shalt  }
0x58: {  	_ =	shalt  }
0x59: {  	_ =	shalt  }
0x5a: {  	_ =	shalt  }
0x5b: {  	_ =	shalt  }
0x5c: {  	_ =	shalt  }
0x5d: {  	_ =	shalt  }
0x5e: {  	_ =	shalt  }
0x5f: {  	_ =	shalt  }
0x60: {  	_ =	shalt  }
0x61: {  	_ =	shalt  }
0x62: {  	_ =	shalt  }
0x63: {  	_ =	shalt  }
0x64: {  	_ =	shalt  }
0x65: {  	_ =	shalt  }
0x66: {  	_ =	shalt  }
0x67: {  	_ =	shalt  }
0x68: {  	_ =	shalt  }
0x69: {  	_ =	shalt  }
0x6a: {  	_ =	shalt  }
0x6b: {  	_ =	shalt  }
0x6c: {  	_ =	shalt  }
0x6d: {  	_ =	shalt  }
0x6e: {  	_ =	shalt  }
0x6f: {  	_ =	shalt  }
0x70: {  	_ =	shalt  }
0x71: {  	_ =	shalt  }
0x72: {  	_ =	shalt  }
0x73: {  	_ =	shalt  }
0x74: {  	_ =	shalt  }
0x75: {  	_ =	shalt  }
0x76: {  	_ =	shalt  }
0x77: {  	_ =	shalt  }
0x78: {  	_ =	shalt  }
0x79: {  	_ =	shalt  }
0x7a: {  	_ =	shalt  }
0x7b: {  	_ =	shalt  }
0x7c: {  	_ =	shalt  }
0x7d: {  	_ =	shalt  }
0x7e: {  	_ =	shalt  }
0x7f: {  	_ =	shalt  }
0x80: {  	_ =	shalt  }
0x81: {  	_ =	shalt  }
0x82: {  	_ =	shalt  }
0x83: {  	_ =	shalt  }
0x84: {  	_ =	shalt  }
0x85: {  	_ =	shalt  }
0x86: {  	_ =	shalt  }
0x87: {  	_ =	shalt  }
.Lfunc_end0:
.L_simem_size_0:
called_computation_lowered:
.L_overlay_start_0:
0x88: {  	s2 =	sld [smem:$0x3FD9]  }
0x89: {  	s3 =	sld [smem:$0x3FFE];
	_ =	sdelay $0x1  }
0x8a: {  	s1 =	srdreg.scid  }
0x8b: {  	s0 =	sand.u32 $0x1, s1  }
0x8c: {  	s17 =	sshll.u32 s0, $0xA;
	s2 =	sadd.s32 s3, s2  }
0x8d: {  	s2 =	sadd.s32 s2, s17  }
0x8e: {  	[smem:$0x3FC0] =	sst s2  }
0x8f: {  	_ = 	snop  }
0x90: {  	s2 =	sld [smem:$0x3FD0];
	(tm) =	ssettm $0x1  }
0x91: {  	s18 =	sld [smem:$0x3FFB];
	_ =	sdelay $0x3  }
0x92: {  	_ =	strace s18  }
0x93: {  	s3 =	sld [smem:$0x3FFC];
	_ =	sdelay $0x3  }
0x94: {  	_ =	strace s3  }
0x95: {  	s3 =	sld [smem:$0x3FFD];
	_ =	sdelay $0x3  }
0x96: {  	_ =	strace s3  }
0x97: {  	_ =	strace $0x8FFFFFFF  }
0x98: {  	s19 =	sld [smem:$0x3FDB];
	_ =	sdelay $0x1  }
0x99: {  	s4 =	simm.s32 $_scs_section_size  }
0x9a: {  	s5 =	simm.s32 $_size__tile_overlayer_lowered;
	s6 =	simm.s32 $_tile_overlayer_lowered  }
0x9b: {  	s22 =	simm.s32 $0x1BFF;
	s21 =	sshll.u32 s6, $0x1;
	s3 =	sadd.s32 s4, s19  }
0x9c: {  	s7 =	simm.s32 $0x0;
	s20 =	sshll.u32 s5, $0x1;
	s5 =	sadd.s32 s21, s3  }
0x9d: {  	[timem:s7], [sflag:s22] =	dma.local [hbm:s5], s20  }
0x9e: {  	_ =	swait.ge [sflag:s22], s20  }
0x9f: {  	s4 =	ssub.s32 $0x0, s20;
	[sflag:s22] =	ssyncset.done $0x0  }
0xa0: {  	[sflag:s22] =	ssyncadd.s32 s4;
	_ =	sdelay $0x1  }
0xa1: {  	s23 =	simm.s32 $0x1B8B  }
0xa2: {  	_ =	swait.ge [sflag:s23], $0x1  }
0xa3: {  	[sflag:s23] =	ssyncset.done $0x0  }
0xa4: {  	s25 =	simm.s32 $0x1B8E;
	s24 =	sld [smem:$0x3FFE];
	[sflag:s23] =	ssyncadd.s32 $0xFFFFFFFF  }
0xa5: {  	s26 =	simm.s32 $execute0_lowered;
	[smem:$0x3FD2] =	sst s25  }
0xa6: {  	s5 =	sshll.u32 s26, $0x1;
	_ =	strace $0x80000046;
	[dreg:$0x1] =	wrdreg $0xFFFFFFFF  }
0xa7: {  	s28 =	simm.s32 $_size_execute0_lowered;
	s3 =	sadd.s32 s3, s5;
	[dreg:$0x0] =	wrdreg $0x0  }
0xa8: {  	s5 =	sshll.u32 s28, $0x1;
	[dreg:$0x2] =	wrdreg s3  }
0xa9: {  	[dreg:$0x3] =	wrdreg s5  }
0xaa: {  	[dreg:$0x4] =	wrdreg $0xC0  }
0xab: {  	_ =	task [dreg:s7], $0x5FFFF  }
0xac: {  	[dreg:$0x1] =	wrdreg $0xFFFFFFFF  }
0xad: {  	[dreg:$0x0] =	wrdreg $0x60  }
0xae: {  	[dreg:$0x2] =	wrdreg s2  }
0xaf: {  	[dreg:$0x3] =	wrdreg s24  }
0xb0: {  	[dreg:$0x4] =	wrdreg $0xF0000  }
0xb1: {  	[dreg:$0x5] =	wrdreg $0x198000  }
0xb2: {  	[dreg:$0x6] =	wrdreg $0x9  }
0xb3: {  	_ =	task.clear_ibuf [dreg:s7], $0x7FFFF;
	_ =	strace $0x90000046  }
0xb4: {  	s29 =	simm.s32 $0x9;
	_ =	strace $0x80000048  }
0xb5: {  	_ =	swait.ge [sflag:s29], $0x1  }
0xb6: {  	[sflag:s29] =	ssyncadd.s32 $0xFFFFFFFF  }
0xb7: {  	_ =	strace $0x90000048  }
0xb8: {  	_ =	sfence  }
0xb9: {  	s30 =	sld [smem:$0x0];
	_ =	sdelay $0x2  }
0xba: {  	s31 =	sshll.u32 s1, $0xD;
	s1 =	sshrl.u32 s1, $0x2  }
0xbb: {  	s3 =	sand.u32 $0x4000, s31;
	s1 =	sadd.s32 s1, s30  }
0xbc: {  	s0 =	sor.u32 s3, s0;
	s1 =	sshll.u32 s1, $0x11  }
0xbd: {  	s0 =	sor.u32 s1, s0  }
0xbe: {  	s0 =	sadd.s32 $0x8F2B, s0  }
0xbf: {  	[sflag:s0] =	ssyncadd.remote.s32 $0x1  }
0xc0: {  	_ =	sfence.sel $0xFFFF  }
0xc1: {  	[dreg:$0x0] =	wrdreg $0xFFFFFFFF;
	(pc) =	sbr.abs _section_cstart, $3  }
0xc2: {  	[dreg:$0x1] =	wrdreg $0xFFFFFFFF  }
0xc3: {  	_ =	task.clear_ibuf [dreg:s7], $0x2FFFF;
	_ =	strace $0x9FFFFFFF  }
0xc4: {  	(tm) =	ssettm $0x7FFFFFFF  }
0xc5: {  	_ =	shalt  }
tec
execute0_lowered:
.L_overlay_start_1:
0x0: {  	(tag) =	ssettag $0x1  }
0x1: {  	s1 =	rddreg [dreg:$0x0]  }
0x2: {  	s6 =	rddreg [dreg:$0x1]  }
0x3: {  	s0 =	srdreg.scid;
	s3 =	rddreg [dreg:$0x2]  }
0x4: {  	s11 =	stileid.u32;
	s4 =	rddreg [dreg:$0x3]  }
0x5: {  	s5 =	simm.s32 $0x0;
	s29 =	simm.s32 $0x9000;
	s7 =	smul.u32 $0xA000, s11  }
0x6: {  	s31 =	simm.s32 $0xB000;
	s0 =	sand.u32 $0x1, s0;
	s9 =	smul.u32 $0x2800, s11  }
0x7: {  	s28 =	simm.s32 $0x1;
	s30 =	simm.s32 $0x2;
	s8 =	smul.u32 $0xA0000, s0  }
0x8: {  	[smem:$0x7FF] =	sst s5;
	s2 =	sshll.u32 s0, $0x4;
	s10 =	smul.u32 $0x28000, s0  }
0x9: {  	s0 =	ssub.s32 $0x2, s0;
	s2 =	sor.u32 s11, s2;
	s11 =	smul.u32 $0x280, s11  }
0xa: {  	_ =	strace $0x80000047;
	s24 =	sshrl.u32 s0, $0x1;
	s2 =	smul.u32 $0x500, s2  }
0xb: {  	s8 =	sadd.s32 s7, s8;
	s10 =	sadd.s32 s9, s10;
	s0 =	ssub.s32 s0, s24  }
0xc: {  	s8 =	sshrl.u32 s8, $0x3;
	s10 =	sshrl.u32 s10, $0x3;
	s12 =	sadd.s32 $0x80, s11  }
0xd: {  	s26 =	sadd.s32 $0x100, s11;
	s13 =	sadd.s32 $0x180, s11;
	s16 =	sadd.s32 $0x200, s11  }
0xe: {  	s0 =	smax.u32 s0, $0x1;
	s2 =	sadd.s32 s2, s6;
	s8 =	sadd.s32 s8, s6  }
0xf: {  	s10 =	sadd.s32 s10, s6;
	s6 =	sadd.s32 s7, s3;
	s25 =	sshll.u32 s12, $0x6  }
0x10: {  	s14 =	sshll.u32 s26, $0x6;
	s15 =	sshll.u32 s13, $0x6;
	s19 =	sshll.u32 s16, $0x6  }
0x11: {  	s20 =	sshll.u32 s12, $0x4;
	s21 =	sshll.u32 s13, $0x4;
	s23 =	sshll.u32 s16, $0x4  }
0x12: {  	[dreg:$0x11] =	wrdreg s0;
	s0 =	simm.s32 $0xD000;
	s12 =	simm.s32 $0x5  }
0x13: {  	s13 =	simm.s32 $0x2A00;
	s16 =	simm.s32 $0x8;
	s7 =	sadd.s32 s25, s3  }
0x14: {  	s17 =	sadd.s32 s14, s3;
	s18 =	sadd.s32 s15, s3;
	[dreg:$0x5] =	wrdreg s7  }
0x15: {  	s11 =	sadd.s32 s19, s3;
	s22 =	sadd.s32 s21, s4;
	[dreg:$0x6] =	wrdreg s17  }
0x16: {  	s24 =	sadd.s32 $0x1400, s2;
	s2 =	sadd.s32 $0xB400, s2;
	[dreg:$0x7] =	wrdreg s18  }
0x17: {  	s25 =	sadd.s32 $0x15400, s8;
	s21 =	simm.s32 $0x5000;
	[dreg:$0x8] =	wrdreg s11  }
0x18: {  	s14 =	simm.s32 $0x6;
	s15 =	simm.s32 $0x7;
	[dreg:$0xb] =	wrdreg s22  }
0x19: {  	s19 =	simm.s32 $0xB;
	s11 =	sadd.s32 s9, s4;
	[dreg:$0xd] =	wrdreg s24  }
0x1a: {  	s9 =	sadd.s32 s20, s4;
	s7 =	sshll.u32 s26, $0x4;
	[dreg:$0xe] =	wrdreg s2  }
0x1b: {  	[dreg:$0xf] =	wrdreg s25;
	s26 =	sadd.s32 $0x3D400, s10;
	s22 =	simm.s32 $0xC  }
0x1c: {  	s24 =	simm.s32 $0x2800;
	s25 =	simm.s32 $0x80;
	s10 =	simm.s32 $0x2980  }
0x1d: {  	s17 =	simm.s32 $0x9;
	s18 =	simm.s32 $0xA;
	[dreg:$0x9] =	wrdreg s9  }
0x1e: {  	s7 =	sadd.s32 s7, s4;
	[dreg:$0x10] =	wrdreg s26;
	s26 =	simm.s32 $0x7000  }
0x1f: {  	s9 =	simm.s32 $0x4;
	[dreg:$0xa] =	wrdreg s7;
	s7 =	sadd.s32 s23, s4  }
0x20: {  	v0 =	vimm.f32 $0.0e+00;
	v1 =	vimm.f32 $1.000000000e+00;
	s23 =	simm.s32 $0x19000;
	[dreg:$0xc] =	wrdreg s7;
	s7 =	simm.s32 $0x3  }
.LBB2_1:
0x21: {  	s20 =	simm.s32 $0x100;
	s2 =	simm.s32 $0x0  }
.LBB2_2:
0x22: {  	p0 =	sne.s32 s20, $0x7F00;
	[tilespmem:s2+$0x5030] =	vst v0;
	s8 =	smov.u32 s20;
	s20 =	sadd.s32 $0x100, s20  }
.Ltmp0:
0x23: {  	[tilespmem:s2+$0x5020] =	vst v0;
	(pc) =	sbr.rel @p0 .LBB2_2-.Ltmp0, $3  }
0x24: {  	[tilespmem:s2+$0x5000] =	vst v0  }
0x25: {  	[tilespmem:s2+$0x5010] =	vst v0;
	_ =	sdelay $0x1  }
0x26: {  	s2 =	sshra.s32 s8, $0x2  }
0x27: {  	[tilespmem:s2+$0x5030] =	vst v0  }
0x28: {  	[tilespmem:s2+$0x5020] =	vst v0  }
0x29: {  	[tilespmem:s2+$0x5000] =	vst v0  }
0x2a: {  	[tilespmem:s2+$0x5010] =	vst v0  }
0x2b: {  	[spmem:s6] =	stream.linear.scatter [tilespmem:s21], [sflag:$0xC], $0x2000, $0x38;
	[tilespmem:$0x1C000] =	vst v63  }
0x2c: {  	_ =	swait.ge [sflag:s22], $0x2000  }
0x2d: {  	[sflag:s22] =	ssyncset.done $0x0  }
0x2e: {  	s8 =	rddreg [dreg:$0x5];
	[sflag:s22] =	ssyncadd.s32 $0xFFFFE000  }
0x2f: {  	[spmem:s8] =	stream.linear.scatter [tilespmem:s21], [sflag:$0xC], $0x2000, $0x38;
	[tilespmem:$0x1C000] =	vst v63  }
0x30: {  	_ =	swait.ge [sflag:s22], $0x2000  }
0x31: {  	[sflag:s22] =	ssyncset.done $0x0  }
0x32: {  	s20 =	rddreg [dreg:$0x6];
	[sflag:s22] =	ssyncadd.s32 $0xFFFFE000  }
0x33: {  	[spmem:s20] =	stream.linear.scatter [tilespmem:s21], [sflag:$0xC], $0x2000, $0x38;
	[tilespmem:$0x1C000] =	vst v63  }
0x34: {  	_ =	swait.ge [sflag:s22], $0x2000  }
0x35: {  	[sflag:s22] =	ssyncset.done $0x0  }
0x36: {  	s8 =	rddreg [dreg:$0x7];
	[sflag:s22] =	ssyncadd.s32 $0xFFFFE000  }
0x37: {  	[spmem:s8] =	stream.linear.scatter [tilespmem:s21], [sflag:$0xC], $0x2000, $0x38;
	[tilespmem:$0x1C000] =	vst v63  }
0x38: {  	_ =	swait.ge [sflag:s22], $0x2000  }
0x39: {  	[sflag:s22] =	ssyncset.done $0x0  }
0x3a: {  	s20 =	rddreg [dreg:$0x8];
	[sflag:s22] =	ssyncadd.s32 $0xFFFFE000  }
0x3b: {  	[spmem:s20] =	stream.linear.scatter [tilespmem:s21], [sflag:$0xC], $0x2000, $0x38;
	[tilespmem:$0x1C000] =	vst v63  }
0x3c: {  	_ =	swait.ge [sflag:s22], $0x2000  }
0x3d: {  	[sflag:s22] =	ssyncset.done $0x0  }
0x3e: {  	s2 =	simm.s32 $0x40;
	s20 =	simm.s32 $0x0;
	[sflag:s22] =	ssyncadd.s32 $0xFFFFE000  }
.LBB2_4:
0x3f: {  	p0 =	sne.s32 s2, $0x1FC0;
	[tilespmem:s20+$0x19000] =	vst v0;
	s8 =	smov.u32 s2;
	s2 =	sadd.s32 $0x40, s2  }
.Ltmp1:
0x40: {  	(pc) =	sbr.rel @p0 .LBB2_4-.Ltmp1, $2  }
0x41: {  	_ =	sdelay $0x2  }
0x42: {  	s20 =	sshra.s32 s8, $0x2  }
0x43: {  	[tilespmem:s20+$0x19000] =	vst v0  }
0x44: {  	[spmem:s11] =	stream.linear.scatter [tilespmem:s23], [sflag:$0xC], $0x800, $0x38;
	[tilespmem:$0x1C000] =	vst v63  }
0x45: {  	_ =	swait.ge [sflag:s22], $0x800  }
0x46: {  	[sflag:s22] =	ssyncset.done $0x0  }
0x47: {  	s2 =	rddreg [dreg:$0x9];
	[sflag:s22] =	ssyncadd.s32 $0xFFFFF800  }
0x48: {  	[spmem:s2] =	stream.linear.scatter [tilespmem:s23], [sflag:$0xC], $0x800, $0x38;
	[tilespmem:$0x1C000] =	vst v63  }
0x49: {  	_ =	swait.ge [sflag:s22], $0x800  }
0x4a: {  	[sflag:s22] =	ssyncset.done $0x0  }
0x4b: {  	s20 =	rddreg [dreg:$0xa];
	[sflag:s22] =	ssyncadd.s32 $0xFFFFF800  }
0x4c: {  	[spmem:s20] =	stream.linear.scatter [tilespmem:s23], [sflag:$0xC], $0x800, $0x38;
	[tilespmem:$0x1C000] =	vst v63  }
0x4d: {  	_ =	swait.ge [sflag:s22], $0x800  }
0x4e: {  	[sflag:s22] =	ssyncset.done $0x0  }
0x4f: {  	s8 =	rddreg [dreg:$0xb];
	[sflag:s22] =	ssyncadd.s32 $0xFFFFF800  }
0x50: {  	[spmem:s8] =	stream.linear.scatter [tilespmem:s23], [sflag:$0xC], $0x800, $0x38;
	[tilespmem:$0x1C000] =	vst v63  }
0x51: {  	_ =	swait.ge [sflag:s22], $0x800  }
0x52: {  	[sflag:s22] =	ssyncset.done $0x0  }
0x53: {  	s20 =	rddreg [dreg:$0xc];
	[sflag:s22] =	ssyncadd.s32 $0xFFFFF800  }
0x54: {  	[spmem:s20] =	stream.linear.scatter [tilespmem:s23], [sflag:$0xC], $0x800, $0x38;
	[tilespmem:$0x1C000] =	vst v63  }
0x55: {  	_ =	swait.ge [sflag:s22], $0x800  }
0x56: {  	[sflag:s22] =	ssyncset.done $0x0  }
0x57: {  	s2 =	simm.s32 $0x40;
	s20 =	simm.s32 $0x0;
	[sflag:s22] =	ssyncadd.s32 $0xFFFFF800  }
.LBB2_6:
0x58: {  	p0 =	sne.s32 s2, $0x1FC0;
	[tilespmem:s20+$0x19000] =	vst v1;
	s8 =	smov.u32 s2;
	s2 =	sadd.s32 $0x40, s2  }
.Ltmp2:
0x59: {  	(pc) =	sbr.rel @p0 .LBB2_6-.Ltmp2, $2  }
0x5a: {  	_ =	sdelay $0x2  }
0x5b: {  	s20 =	sshra.s32 s8, $0x2  }
0x5c: {  	[tilespmem:s20+$0x19000] =	vst v1;
	s2 =	simm.s32 $0x0;
	s8 =	rddreg [dreg:$0xd]  }
0x5d: {  	[tilespmem:s2], [sflag:$0xC] =	stream.linear.gather [hbm4b:s8+s2], $0x2800, $0x38;
	[tilespmem:$0x1C000] =	vst v63  }
0x5e: {  	_ =	swait.ge [sflag:s22], $0x2800  }
0x5f: {  	[sflag:s22] =	ssyncset.done $0x0  }
0x60: {  	s20 =	rddreg [dreg:$0xe];
	[sflag:s22] =	ssyncadd.s32 $0xFFFFD800  }
0x61: {  	[tilespmem:s24], [sflag:$0xC] =	stream.linear.gather [hbm4b:s20+s2], $0x2800, $0x38;
	[tilespmem:$0x1C000] =	vst v63  }
0x62: {  	_ =	swait.ge [sflag:s22], $0x2800  }
0x63: {  	[sflag:s22] =	ssyncset.done $0x0  }
0x64: {  	[sflag:s22] =	ssyncadd.s32 $0xFFFFD800  }
0x65: {  	[bflag:$0x0] =	sbarrier.arrive $0xFFFF  }
0x66: {  	[tilespmem:s21], [sflag:$0x1] =	stream.indirect.gather [hbm4b:s1+s25], $0x40, s2, s25, $0xb8;
	[tilespmem:$0x1C000] =	vst v63  }
0x67: {  	_ = 	snop  }
0x68: {  	[tilespmem:s26], [sflag:$0x2] =	stream.indirect.gather [hbm4b:s1+s25], $0x40, s25, s25, $0xb8;
	[tilespmem:$0x1C000] =	vst v63  }
0x69: {  	s8 =	simm.s32 $0x100  }
0x6a: {  	[tilespmem:s29], [sflag:$0x3] =	stream.indirect.gather [hbm4b:s1+s25], $0x40, s8, s25, $0xb8;
	[tilespmem:$0x1C000] =	vst v63  }
0x6b: {  	s20 =	simm.s32 $0x180  }
0x6c: {  	[tilespmem:s31], [sflag:$0x4] =	stream.indirect.gather [hbm4b:s1+s25], $0x40, s20, s25, $0xb8;
	[tilespmem:$0x1C000] =	vst v63  }
0x6d: {  	s8 =	simm.s32 $0x200  }
0x6e: {  	[tilespmem:s0], [sflag:$0x5] =	stream.indirect.gather [hbm4b:s1+s25], $0x40, s8, s25, $0xb8;
	[tilespmem:$0x1C000] =	vst v63  }
0x6f: {  	_ =	swait.ge [sflag:s28], $0x2000  }
0x70: {  	[sflag:s28] =	ssyncset.done $0x0  }
0x71: {  	[sflag:s28] =	ssyncadd.s32 $0xFFFFE000  }
0x72: {  	[spmem:s3] =	stream.indirect.scatter.add.f32 [tilespmem:s21], [sflag:$0x6], $0x40, s24, s25, $0xb8;
	[tilespmem:$0x1C000] =	vst v63  }
0x73: {  	_ = 	snop  }
0x74: {  	[spmem:s4] =	stream.indirect.scatter.add.f32 [tilespmem:s23], [sflag:$0xB], $0x10, s24, s25, $0xb8;
	[tilespmem:$0x1C000] =	vst v63  }
0x75: {  	_ =	swait.ge [sflag:s30], $0x2000  }
0x76: {  	[sflag:s30] =	ssyncset.done $0x0  }
0x77: {  	s20 =	simm.s32 $0x2880;
	[sflag:s30] =	ssyncadd.s32 $0xFFFFE000  }
0x78: {  	[spmem:s3] =	stream.indirect.scatter.add.f32 [tilespmem:s26], [sflag:$0x7], $0x40, s20, s25, $0xb8;
	[tilespmem:$0x1C000] =	vst v63  }
0x79: {  	_ = 	snop  }
0x7a: {  	[spmem:s4] =	stream.indirect.scatter.add.f32 [tilespmem:s23], [sflag:$0xB], $0x10, s20, s25, $0xb8;
	[tilespmem:$0x1C000] =	vst v63  }
0x7b: {  	_ =	swait.ge [sflag:s7], $0x2000  }
0x7c: {  	[sflag:s7] =	ssyncset.done $0x0  }
0x7d: {  	s8 =	simm.s32 $0x2900;
	[sflag:s7] =	ssyncadd.s32 $0xFFFFE000  }
0x7e: {  	[spmem:s3] =	stream.indirect.scatter.add.f32 [tilespmem:s29], [sflag:$0x8], $0x40, s8, s25, $0xb8;
	[tilespmem:$0x1C000] =	vst v63  }
0x7f: {  	_ = 	snop  }
0x80: {  	[spmem:s4] =	stream.indirect.scatter.add.f32 [tilespmem:s23], [sflag:$0xB], $0x10, s8, s25, $0xb8;
	[tilespmem:$0x1C000] =	vst v63  }
0x81: {  	_ =	swait.ge [sflag:s9], $0x2000  }
0x82: {  	[sflag:s9] =	ssyncset.done $0x0  }
0x83: {  	[sflag:s9] =	ssyncadd.s32 $0xFFFFE000  }
0x84: {  	[spmem:s3] =	stream.indirect.scatter.add.f32 [tilespmem:s31], [sflag:$0x9], $0x40, s10, s25, $0xb8;
	[tilespmem:$0x1C000] =	vst v63  }
0x85: {  	_ = 	snop  }
0x86: {  	[spmem:s4] =	stream.indirect.scatter.add.f32 [tilespmem:s23], [sflag:$0xB], $0x10, s10, s25, $0xb8;
	[tilespmem:$0x1C000] =	vst v63  }
0x87: {  	_ =	swait.ge [sflag:s12], $0x2000  }
0x88: {  	[sflag:s12] =	ssyncset.done $0x0  }
0x89: {  	[sflag:s12] =	ssyncadd.s32 $0xFFFFE000  }
0x8a: {  	[spmem:s3] =	stream.indirect.scatter.add.f32 [tilespmem:s0], [sflag:$0xA], $0x40, s13, s25, $0xb8;
	[tilespmem:$0x1C000] =	vst v63  }
0x8b: {  	_ = 	snop  }
0x8c: {  	[spmem:s4] =	stream.indirect.scatter.add.f32 [tilespmem:s23], [sflag:$0xB], $0x10, s13, s25, $0xb8;
	[tilespmem:$0x1C000] =	vst v63  }
0x8d: {  	_ =	swait.ge [sflag:s14], $0x2000  }
0x8e: {  	[sflag:s14] =	ssyncset.done $0x0  }
0x8f: {  	s20 =	simm.s32 $0x280;
	[sflag:s14] =	ssyncadd.s32 $0xFFFFE000  }
0x90: {  	[tilespmem:s21], [sflag:$0x1] =	stream.indirect.gather [hbm4b:s1+s25], $0x40, s20, s25, $0xb8;
	[tilespmem:$0x1C000] =	vst v63  }
0x91: {  	_ =	swait.ge [sflag:s15], $0x2000  }
0x92: {  	[sflag:s15] =	ssyncset.done $0x0  }
0x93: {  	s8 =	simm.s32 $0x300;
	[sflag:s15] =	ssyncadd.s32 $0xFFFFE000  }
0x94: {  	[tilespmem:s26], [sflag:$0x2] =	stream.indirect.gather [hbm4b:s1+s25], $0x40, s8, s25, $0xb8;
	[tilespmem:$0x1C000] =	vst v63  }
0x95: {  	_ =	swait.ge [sflag:s16], $0x2000  }
0x96: {  	[sflag:s16] =	ssyncset.done $0x0  }
0x97: {  	s20 =	simm.s32 $0x380;
	[sflag:s16] =	ssyncadd.s32 $0xFFFFE000  }
0x98: {  	[tilespmem:s29], [sflag:$0x3] =	stream.indirect.gather [hbm4b:s1+s25], $0x40, s20, s25, $0xb8;
	[tilespmem:$0x1C000] =	vst v63  }
0x99: {  	_ =	swait.ge [sflag:s17], $0x2000  }
0x9a: {  	[sflag:s17] =	ssyncset.done $0x0  }
0x9b: {  	s8 =	simm.s32 $0x400;
	[sflag:s17] =	ssyncadd.s32 $0xFFFFE000  }
0x9c: {  	[tilespmem:s31], [sflag:$0x4] =	stream.indirect.gather [hbm4b:s1+s25], $0x40, s8, s25, $0xb8;
	[tilespmem:$0x1C000] =	vst v63  }
0x9d: {  	_ =	swait.ge [sflag:s18], $0x2000  }
0x9e: {  	[sflag:s18] =	ssyncset.done $0x0  }
0x9f: {  	s20 =	simm.s32 $0x480;
	[sflag:s18] =	ssyncadd.s32 $0xFFFFE000  }
0xa0: {  	[tilespmem:s0], [sflag:$0x5] =	stream.indirect.gather [hbm4b:s1+s25], $0x40, s20, s25, $0xb8;
	[tilespmem:$0x1C000] =	vst v63  }
0xa1: {  	_ =	swait.ge [sflag:s28], $0x2000  }
0xa2: {  	[sflag:s28] =	ssyncset.done $0x0  }
0xa3: {  	s8 =	simm.s32 $0x2A80;
	[sflag:s28] =	ssyncadd.s32 $0xFFFFE000  }
0xa4: {  	[spmem:s3] =	stream.indirect.scatter.add.f32 [tilespmem:s21], [sflag:$0x6], $0x40, s8, s25, $0xb8;
	[tilespmem:$0x1C000] =	vst v63  }
0xa5: {  	_ = 	snop  }
0xa6: {  	[spmem:s4] =	stream.indirect.scatter.add.f32 [tilespmem:s23], [sflag:$0xB], $0x10, s8, s25, $0xb8;
	[tilespmem:$0x1C000] =	vst v63  }
0xa7: {  	_ =	swait.ge [sflag:s30], $0x2000  }
0xa8: {  	[sflag:s30] =	ssyncset.done $0x0  }
0xa9: {  	s20 =	simm.s32 $0x2B00;
	[sflag:s30] =	ssyncadd.s32 $0xFFFFE000  }
0xaa: {  	[spmem:s3] =	stream.indirect.scatter.add.f32 [tilespmem:s26], [sflag:$0x7], $0x40, s20, s25, $0xb8;
	[tilespmem:$0x1C000] =	vst v63  }
0xab: {  	_ = 	snop  }
0xac: {  	[spmem:s4] =	stream.indirect.scatter.add.f32 [tilespmem:s23], [sflag:$0xB], $0x10, s20, s25, $0xb8;
	[tilespmem:$0x1C000] =	vst v63  }
0xad: {  	_ =	swait.ge [sflag:s7], $0x2000  }
0xae: {  	[sflag:s7] =	ssyncset.done $0x0  }
0xaf: {  	s8 =	simm.s32 $0x2B80;
	[sflag:s7] =	ssyncadd.s32 $0xFFFFE000  }
0xb0: {  	[spmem:s3] =	stream.indirect.scatter.add.f32 [tilespmem:s29], [sflag:$0x8], $0x40, s8, s25, $0xb8;
	[tilespmem:$0x1C000] =	vst v63  }
0xb1: {  	_ = 	snop  }
0xb2: {  	[spmem:s4] =	stream.indirect.scatter.add.f32 [tilespmem:s23], [sflag:$0xB], $0x10, s8, s25, $0xb8;
	[tilespmem:$0x1C000] =	vst v63  }
0xb3: {  	_ =	swait.ge [sflag:s9], $0x2000  }
0xb4: {  	[sflag:s9] =	ssyncset.done $0x0  }
0xb5: {  	s20 =	simm.s32 $0x2C00;
	[sflag:s9] =	ssyncadd.s32 $0xFFFFE000  }
0xb6: {  	[spmem:s3] =	stream.indirect.scatter.add.f32 [tilespmem:s31], [sflag:$0x9], $0x40, s20, s25, $0xb8;
	[tilespmem:$0x1C000] =	vst v63  }
0xb7: {  	_ = 	snop  }
0xb8: {  	[spmem:s4] =	stream.indirect.scatter.add.f32 [tilespmem:s23], [sflag:$0xB], $0x10, s20, s25, $0xb8;
	[tilespmem:$0x1C000] =	vst v63  }
0xb9: {  	_ =	swait.ge [sflag:s12], $0x2000  }
0xba: {  	[sflag:s12] =	ssyncset.done $0x0  }
0xbb: {  	s2 =	simm.s32 $0x2C80;
	s20 =	simm.s32 $0xA00;
	[sflag:s12] =	ssyncadd.s32 $0xFFFFE000  }
0xbc: {  	[spmem:s3] =	stream.indirect.scatter.add.f32 [tilespmem:s0], [sflag:$0xA], $0x40, s2, s25, $0xb8;
	[tilespmem:$0x1C000] =	vst v63  }
.LBB2_8:
0xbd: {  	[spmem:s4] =	stream.indirect.scatter.add.f32 [tilespmem:s23], [sflag:$0xB], $0x10, s2, s25, $0xb8;
	[tilespmem:$0x1C000] =	vst v63  }
0xbe: {  	s2 =	smov.u32 s20  }
0xbf: {  	p0 =	sne.s32 s20, $0x8C00;
	s20 =	sadd.s32 $0xA00, s20;
	_ =	swait.ge [sflag:s14], $0x2000  }
0xc0: {  	s2 =	sshra.s32 s2, $0x2;
	[sflag:s14] =	ssyncset.done $0x0  }
0xc1: {  	s8 =	sadd.s32 $0x280, s2;
	[sflag:s14] =	ssyncadd.s32 $0xFFFFE000  }
0xc2: {  	[tilespmem:s21], [sflag:$0x1] =	stream.indirect.gather [hbm4b:s1+s25], $0x40, s8, s25, $0xb8;
	[tilespmem:$0x1C000] =	vst v63  }
0xc3: {  	_ =	swait.ge [sflag:s15], $0x2000  }
0xc4: {  	[sflag:s15] =	ssyncset.done $0x0  }
0xc5: {  	s8 =	sadd.s32 $0x300, s2;
	[sflag:s15] =	ssyncadd.s32 $0xFFFFE000  }
0xc6: {  	[tilespmem:s26], [sflag:$0x2] =	stream.indirect.gather [hbm4b:s1+s25], $0x40, s8, s25, $0xb8;
	[tilespmem:$0x1C000] =	vst v63  }
0xc7: {  	_ =	swait.ge [sflag:s16], $0x2000  }
0xc8: {  	[sflag:s16] =	ssyncset.done $0x0  }
0xc9: {  	s8 =	sadd.s32 $0x380, s2;
	[sflag:s16] =	ssyncadd.s32 $0xFFFFE000  }
0xca: {  	[tilespmem:s29], [sflag:$0x3] =	stream.indirect.gather [hbm4b:s1+s25], $0x40, s8, s25, $0xb8;
	[tilespmem:$0x1C000] =	vst v63  }
0xcb: {  	_ =	swait.ge [sflag:s17], $0x2000  }
0xcc: {  	[sflag:s17] =	ssyncset.done $0x0  }
0xcd: {  	s8 =	sadd.s32 $0x400, s2;
	[sflag:s17] =	ssyncadd.s32 $0xFFFFE000  }
0xce: {  	[tilespmem:s31], [sflag:$0x4] =	stream.indirect.gather [hbm4b:s1+s25], $0x40, s8, s25, $0xb8;
	[tilespmem:$0x1C000] =	vst v63  }
0xcf: {  	_ =	swait.ge [sflag:s18], $0x2000  }
0xd0: {  	[sflag:s18] =	ssyncset.done $0x0  }
0xd1: {  	s8 =	sadd.s32 $0x480, s2;
	[sflag:s18] =	ssyncadd.s32 $0xFFFFE000  }
0xd2: {  	[tilespmem:s0], [sflag:$0x5] =	stream.indirect.gather [hbm4b:s1+s25], $0x40, s8, s25, $0xb8;
	[tilespmem:$0x1C000] =	vst v63  }
0xd3: {  	_ =	swait.ge [sflag:s28], $0x2000  }
0xd4: {  	[sflag:s28] =	ssyncset.done $0x0  }
0xd5: {  	s8 =	sadd.s32 $0x2A80, s2;
	[sflag:s28] =	ssyncadd.s32 $0xFFFFE000  }
0xd6: {  	[spmem:s3] =	stream.indirect.scatter.add.f32 [tilespmem:s21], [sflag:$0x6], $0x40, s8, s25, $0xb8;
	[tilespmem:$0x1C000] =	vst v63  }
0xd7: {  	_ = 	snop  }
0xd8: {  	[spmem:s4] =	stream.indirect.scatter.add.f32 [tilespmem:s23], [sflag:$0xB], $0x10, s8, s25, $0xb8;
	[tilespmem:$0x1C000] =	vst v63  }
0xd9: {  	_ =	swait.ge [sflag:s30], $0x2000  }
0xda: {  	[sflag:s30] =	ssyncset.done $0x0  }
0xdb: {  	s8 =	sadd.s32 $0x2B00, s2;
	[sflag:s30] =	ssyncadd.s32 $0xFFFFE000  }
0xdc: {  	[spmem:s3] =	stream.indirect.scatter.add.f32 [tilespmem:s26], [sflag:$0x7], $0x40, s8, s25, $0xb8;
	[tilespmem:$0x1C000] =	vst v63  }
0xdd: {  	_ = 	snop  }
0xde: {  	[spmem:s4] =	stream.indirect.scatter.add.f32 [tilespmem:s23], [sflag:$0xB], $0x10, s8, s25, $0xb8;
	[tilespmem:$0x1C000] =	vst v63  }
0xdf: {  	_ =	swait.ge [sflag:s7], $0x2000  }
0xe0: {  	[sflag:s7] =	ssyncset.done $0x0  }
0xe1: {  	s8 =	sadd.s32 $0x2B80, s2;
	[sflag:s7] =	ssyncadd.s32 $0xFFFFE000  }
0xe2: {  	[spmem:s3] =	stream.indirect.scatter.add.f32 [tilespmem:s29], [sflag:$0x8], $0x40, s8, s25, $0xb8;
	[tilespmem:$0x1C000] =	vst v63  }
0xe3: {  	_ = 	snop  }
0xe4: {  	[spmem:s4] =	stream.indirect.scatter.add.f32 [tilespmem:s23], [sflag:$0xB], $0x10, s8, s25, $0xb8;
	[tilespmem:$0x1C000] =	vst v63  }
0xe5: {  	_ =	swait.ge [sflag:s9], $0x2000  }
0xe6: {  	[sflag:s9] =	ssyncset.done $0x0  }
0xe7: {  	s8 =	sadd.s32 $0x2C00, s2;
	[sflag:s9] =	ssyncadd.s32 $0xFFFFE000  }
0xe8: {  	[spmem:s3] =	stream.indirect.scatter.add.f32 [tilespmem:s31], [sflag:$0x9], $0x40, s8, s25, $0xb8;
	[tilespmem:$0x1C000] =	vst v63  }
0xe9: {  	_ = 	snop  }
0xea: {  	[spmem:s4] =	stream.indirect.scatter.add.f32 [tilespmem:s23], [sflag:$0xB], $0x10, s8, s25, $0xb8;
	[tilespmem:$0x1C000] =	vst v63  }
.Ltmp3:
0xeb: {  	_ = 	snop;
	(pc) =	sbr.rel @p0 .LBB2_8-.Ltmp3, $4  }
0xec: {  	_ =	swait.ge [sflag:s12], $0x2000  }
0xed: {  	[sflag:s12] =	ssyncset.done $0x0  }
0xee: {  	s2 =	sadd.s32 $0x2C80, s2;
	[sflag:s12] =	ssyncadd.s32 $0xFFFFE000  }
0xef: {  	[spmem:s3] =	stream.indirect.scatter.add.f32 [tilespmem:s0], [sflag:$0xA], $0x40, s2, s25, $0xb8;
	[tilespmem:$0x1C000] =	vst v63  }
0xf0: {  	[spmem:s4] =	stream.indirect.scatter.add.f32 [tilespmem:s23], [sflag:$0xB], $0x10, s2, s25, $0xb8;
	[tilespmem:$0x1C000] =	vst v63  }
0xf1: {  	_ =	swait.ge [sflag:s14], $0x2000  }
0xf2: {  	[sflag:s14] =	ssyncset.done $0x0  }
0xf3: {  	[sflag:s14] =	ssyncadd.s32 $0xFFFFE000  }
0xf4: {  	_ =	swait.ge [sflag:s15], $0x2000  }
0xf5: {  	[sflag:s15] =	ssyncset.done $0x0  }
0xf6: {  	[sflag:s15] =	ssyncadd.s32 $0xFFFFE000  }
0xf7: {  	_ =	swait.ge [sflag:s16], $0x2000  }
0xf8: {  	[sflag:s16] =	ssyncset.done $0x0  }
0xf9: {  	[sflag:s16] =	ssyncadd.s32 $0xFFFFE000  }
0xfa: {  	_ =	swait.ge [sflag:s17], $0x2000  }
0xfb: {  	[sflag:s17] =	ssyncset.done $0x0  }
0xfc: {  	[sflag:s17] =	ssyncadd.s32 $0xFFFFE000  }
0xfd: {  	_ =	swait.ge [sflag:s18], $0x2000  }
0xfe: {  	[sflag:s18] =	ssyncset.done $0x0  }
0xff: {  	[sflag:s18] =	ssyncadd.s32 $0xFFFFE000  }
0x100: {  	_ =	swait.ge [sflag:s19], $0x800  }
0x101: {  	s2 =	simm.s32 $0x4F;
	[sflag:s19] =	ssyncset.done $0x0  }
.LBB2_10:
0x102: {  	p0 =	sne.s32 s2, $0x1;
	s2 =	sadd.s32 $0xFFFFFFFF, s2;
	[sflag:s19] =	ssyncadd.s32 $0xFFFFF800  }
.Ltmp4:
0x103: {  	(pc) =	sbr.rel @p0 .LBB2_10-.Ltmp4, $3  }
0x104: {  	_ =	sdelay $0x1  }
0x105: {  	_ =	swait.ge [sflag:s19], $0x800  }
0x106: {  	[sflag:s19] =	ssyncset.done $0x0  }
0x107: {  	[sflag:s19] =	ssyncadd.s32 $0xFFFFF800;
	s2 =	stileid.u32  }
0x108: {  	s2 =	sshll.u32 s2, $0x6;
	[bflag:$0x0] =	sbarrier.arrive $0xFFFF  }
0x109: {  	s8 =	sshrl.u32 s6, $0x3;
	s2 =	sor.u32 $0x1C0C, s2;
	s20 =	rddreg [dreg:$0xf]  }
0x10a: {  	[hbm:s20], [sflag:s2] =	dma.local [spmem:s8], $0x1400  }
0x10b: {  	_ =	swait.ge [sflag:s22], $0x1400  }
0x10c: {  	[sflag:s22] =	ssyncset.done $0x0  }
0x10d: {  	s8 =	sshrl.u32 s11, $0x3;
	s20 =	rddreg [dreg:$0x10];
	[sflag:s22] =	ssyncadd.s32 $0xFFFFEC00  }
0x10e: {  	[hbm:s20], [sflag:s2] =	dma.local [spmem:s8], $0x500  }
0x10f: {  	_ =	swait.ge [sflag:s22], $0x500  }
0x110: {  	s5 =	sadd.s32 $0x1, s5;
	s20 =	rddreg [dreg:$0x11]  }
0x111: {  	p0 =	sne.s32 s5, s20  }
.Ltmp5:
0x112: {  	_ = 	snop;
	(pc) =	sbr.rel @p0 .LBB2_1-.Ltmp5, $3  }
0x113: {  	_ =	sdelay $0x1  }
0x114: {  	[sflag:s22] =	ssyncset.done $0x0  }
0x115: {  	[sflag:s22] =	ssyncadd.s32 $0xFFFFFB00  }
0x116: {  	_ =	sfence.sel $0x180000  }
0x117: {  	[bflag:$0x0] =	sbarrier.arrive $0xFFFF  }
0x118: {  	_ =	strace $0x90000047  }
0x119: {  	s0 =	stileid.u32;
	[bflag:$0x2] =	sbarrier.arrive $0xFFFF  }
0x11a: {  	p0 =	sne.s32 s0, $0x0;
	s0 =	rddreg [dreg:$0x4]  }
0x11b: {  	s0 =	sadd.s32 @!p0 $0x100000, s0  }
0x11c: {  	[sflag:s0] =	ssyncadd.tile.s32 @!p0 $0x1;
	_ =	shalt  }
.Lfunc_end2:
_tile_overlayer_lowered:
.L_overlay_start_2:
0x11d: {  	(tag) =	ssettag $0x2  }
0x11e: {  	s0 =	rddreg [dreg:$0x0];
	s2 =	stileid.u32  }
0x11f: {  	s1 =	rddreg [dreg:$0x1];
	p0 =	sne.s32 s2, $0x0  }
0x120: {  	s3 =	rddreg [dreg:$0x2];
	[bflag:$0x3] =	sbarrier.arrive $0xFFFF;
	s2 =	simm.s32 @!p0 $0x1C0C  }
0x121: {  	[timem:s3], [sflag:s2] =	dma.local @!p0 [hbm:s0], s1  }
0x122: {  	s0 =	simm.s32 @!p0 $0xC  }
0x123: {  	_ =	swait.ge @!p0 [sflag:s0], s1  }
0x124: {  	s1 =	ssub.s32 @!p0 $0x0, s1;
	[sflag:s0] =	ssyncset.done @!p0 $0x0  }
0x125: {  	[sflag:s0] =	ssyncadd.s32 @!p0 s1  }
0x126: {  	[bflag:$0x3] =	sbarrier.arrive $0xFFFF  }
0x127: {  	_ =	shalt  }

</sc_bundles>
